<compile_context>
chip_gen: v7x
topology: tpu7x:2x2x1
jax: 0.10.2.dev20260603
libtpu: 0.0.44.dev20260713+nightly
codegen_flags: <defaults>
</compile_context>

<pallas_src>
import numpy as np

import jax
import jax.numpy as jnp
from jax.experimental import pallas as pl
from jax.experimental.pallas import tpu as pltpu


_BT = 1024
_BN = 1024
_MASKED = -150.0


def _proj_kernel(w_ref, x_ref, out_ref):
    out_ref[...] = jnp.tanh(
        jax.lax.dot_general(
            w_ref[...], x_ref[...], (((1,), (1,)), ((), ())),
            preferred_element_type=jnp.float32,
        )
    )


def _step_kernel(im_ref, jm_ref, act_ref, pk_ref, pj2_ref, sqr_ref,
                 aug_ref, augt_ref, a_ref, out_ref, z_ref, zt_ref):
    t = pl.program_id(0)
    i = im_ref[t]
    j = jm_ref[t]
    b = out_ref.shape[1]
    bt = _BT
    nblk = out_ref.shape[0] // bt

    @pl.when(t == 0)
    def _():
        z_ref[...] = jnp.zeros_like(z_ref)
        zt_ref[...] = jnp.zeros_like(zt_ref)

    def weights(masked_diag):
        pki = pk_ref[pl.ds(i * bt, bt), :]
        g2 = jax.lax.dot_general(
            pki[:, 0:3], pj2_ref[:, pl.ds(j * bt, bt)],
            (((1,), (0,)), ((), ())),
            preferred_element_type=jnp.float32,
        )
        d2 = jnp.maximum(
            (pki[:, 3:4] + sqr_ref[:, pl.ds(j * bt, bt)]) - g2, 1e-9)
        arg = jnp.where(d2 <= pki[:, 4:5],
                        d2 * jax.lax.rsqrt(d2) * pki[:, 5:6], _MASKED)
        if masked_diag:
            neq = (jax.lax.broadcasted_iota(jnp.int32, (bt, bt), 0)
                   != jax.lax.broadcasted_iota(jnp.int32, (bt, bt), 1))
            arg = jnp.where(neq, arg, _MASKED)
        return jnp.exp2(arg).astype(jnp.bfloat16)

    @pl.when((j > i) & (act_ref[t] != 0))
    def _():
        w_bf = weights(False)
        z_ref[pl.ds(i * bt, bt), :] += jax.lax.dot_general(
            w_bf, aug_ref[pl.ds(j * bt, bt), :], (((1,), (0,)), ((), ())),
            preferred_element_type=jnp.float32,
        )
        zt_ref[:, pl.ds(j * bt, bt)] += jax.lax.dot_general(
            augt_ref[:, pl.ds(i * bt, bt)], w_bf, (((1,), (0,)), ((), ())),
            preferred_element_type=jnp.float32,
        )

    @pl.when(j == i)
    def _():
        w_bf = weights(True)
        z_ref[pl.ds(i * bt, bt), :] += jax.lax.dot_general(
            w_bf, aug_ref[pl.ds(i * bt, bt), :], (((1,), (0,)), ((), ())),
            preferred_element_type=jnp.float32,
        )

    @pl.when(j == nblk - 1)
    def _():
        zi = (z_ref[pl.ds(i * bt, bt), :]
              + jnp.transpose(zt_ref[:, pl.ds(i * bt, bt)], (1, 0)))
        denom = zi[:, b:b + 1] + 1e-8
        out_ref[pl.ds(i * bt, bt), :] = jnp.tanh(
            zi[:, :b] / denom + a_ref[pl.ds(i * bt, bt), :]
            - pk_ref[pl.ds(i * bt, bt), 6:7])


def _out_kernel(a_ref, wo_ref, o_ref):
    o_ref[...] = jax.lax.dot_general(
        a_ref[...], wo_ref[...], (((0,), (0,)), ((), ())),
        preferred_element_type=jnp.float32,
    )


def kernel(x, positions, input_weights, features, output_weights,
           connection_radii, thresholds, n_iterations):
    n = positions.shape[0]
    b, in_sz = x.shape
    o_sz = output_weights.shape[1]
    nblk = n // _BT

    order = jnp.argsort(positions[:, 0])
    positions = positions[order]
    connection_radii = connection_radii[order]
    thresholds = thresholds[order]

    pos_t2 = (positions * 2.0).T
    sq = jnp.sum(positions * positions, axis=1)
    sq_row = sq[None, :]
    log2e = 1.4426950408889634
    packed = jnp.stack(
        [positions[:, 0], positions[:, 1], positions[:, 2],
         sq + 1e-9,
         connection_radii * connection_radii,
         -log2e / connection_radii,
         thresholds,
         jnp.zeros((n,), jnp.float32)], axis=1)
    ones_col = jnp.ones((n, 1), jnp.float32)

    pairs = [(i, j) for i in range(nblk) for j in range(i, nblk)]
    im = jnp.asarray(np.array([p[0] for p in pairs], dtype=np.int32))
    jm = jnp.asarray(np.array([p[1] for p in pairs], dtype=np.int32))

    pb = positions.reshape(nblk, _BT, 3)
    bmin = pb.min(axis=1)
    bmax = pb.max(axis=1)
    gap = jnp.maximum(jnp.maximum(bmin[None, :, :] - bmax[:, None, :],
                                  bmin[:, None, :] - bmax[None, :, :]), 0.0)
    gap2 = jnp.sum(gap * gap, axis=-1)
    reach = (jnp.max(connection_radii) + 0.5) ** 2
    act = (gap2[im, jm] <= reach).astype(jnp.int32)

    a_t = pl.pallas_call(
        _proj_kernel,
        grid=(n // _BN,),
        in_specs=[
            pl.BlockSpec((_BN, in_sz), lambda i: (i, 0)),
            pl.BlockSpec((b, in_sz), lambda i: (0, 0)),
        ],
        out_specs=pl.BlockSpec((_BN, b), lambda i: (i, 0)),
        out_shape=jax.ShapeDtypeStruct((n, b), jnp.float32),
    )(input_weights, x)

    step = pl.pallas_call(
        _step_kernel,
        grid_spec=pltpu.PrefetchScalarGridSpec(
            num_scalar_prefetch=3,
            grid=(len(pairs),),
            in_specs=[
                pl.BlockSpec((n, 8), lambda t, im, jm, act: (0, 0)),
                pl.BlockSpec((3, n), lambda t, im, jm, act: (0, 0)),
                pl.BlockSpec((1, n), lambda t, im, jm, act: (0, 0)),
                pl.BlockSpec((n, b + 1), lambda t, im, jm, act: (0, 0)),
                pl.BlockSpec((b + 1, n), lambda t, im, jm, act: (0, 0)),
                pl.BlockSpec((n, b), lambda t, im, jm, act: (0, 0)),
            ],
            out_specs=pl.BlockSpec((n, b),
                                   lambda t, im, jm, act: (0, 0)),
            scratch_shapes=[
                pltpu.VMEM((n, b + 1), jnp.float32),
                pltpu.VMEM((b + 1, n), jnp.float32),
            ],
        ),
        out_shape=jax.ShapeDtypeStruct((n, b), jnp.float32),
        compiler_params=pltpu.CompilerParams(
            dimension_semantics=("arbitrary",),
        ),
    )

    def body(_, a):
        a_aug = jnp.concatenate([a, ones_col], axis=1).astype(jnp.bfloat16)
        return step(im, jm, act, packed, pos_t2, sq_row,
                    a_aug, a_aug.T, a)

    a_t = jax.lax.fori_loop(0, n_iterations, body, a_t[order])

    out = pl.pallas_call(
        _out_kernel,
        in_specs=[
            pl.BlockSpec((n, b), lambda: (0, 0)),
            pl.BlockSpec((n, o_sz), lambda: (0, 0)),
        ],
        out_specs=pl.BlockSpec((b, o_sz), lambda: (0, 0)),
        out_shape=jax.ShapeDtypeStruct((b, o_sz), jnp.float32),
    )(a_t, output_weights[order])

    return out

# --- scband reference (transcript-rebuilt; emitter-appended) ---
"""Pipeline reference for scband-continuous-neural-field-15152644620828 (READ-ONLY COPY).

The authoritative reference and input builder live on the scoring server;
editing this copy changes nothing except your own understanding.
"""

import jax, jax.numpy as jnp
import numpy as np

N_NEURONS = 8192
INPUT_SIZE = 784
OUTPUT_SIZE = 10
FEATURE_DIM = 32
BATCH = 64
VOLUME = (100.0, 100.0, 100.0)
BASE_RADIUS = 15.0


def setup_inputs(seed: int = 0) -> dict:
    key = jax.random.key(seed)
    ks = jax.random.split(key, 8)
    vol = jnp.array(VOLUME, dtype=jnp.float32)
    # _initialize_positions: uniform in volume, with input/output regions along x
    positions = jax.random.uniform(ks[0], (N_NEURONS, 3), dtype=jnp.float32) * vol
    n_reg = N_NEURONS // 5
    px = positions[:, 0]
    px = px.at[:n_reg].set(jax.random.uniform(ks[1], (n_reg,), dtype=jnp.float32) * VOLUME[0] * 0.2)
    px = px.at[n_reg:2 * n_reg].set(VOLUME[0] * 0.8 + jax.random.uniform(ks[2], (n_reg,), dtype=jnp.float32) * VOLUME[0] * 0.2)
    positions = positions.at[:, 0].set(px)

    x = jax.random.normal(ks[3], (BATCH, INPUT_SIZE), dtype=jnp.float32)
    input_weights = jax.random.normal(ks[4], (N_NEURONS, INPUT_SIZE), dtype=jnp.float32) * 0.01
    features = jax.random.normal(ks[5], (N_NEURONS, FEATURE_DIM), dtype=jnp.float32) * 0.1
    output_weights = jax.random.normal(ks[6], (N_NEURONS, OUTPUT_SIZE), dtype=jnp.float32) * 0.01
    connection_radii = jnp.ones((N_NEURONS,), dtype=jnp.float32) * BASE_RADIUS
    thresholds = jnp.zeros((N_NEURONS,), dtype=jnp.float32)
    return {
        "x": x,
        "positions": positions,
        "input_weights": input_weights,
        "features": features,
        "output_weights": output_weights,
        "connection_radii": connection_radii,
        "thresholds": thresholds,
        "n_iterations": 2,
    }


def reference(x, positions, input_weights, features, output_weights, connection_radii, thresholds, n_iterations):
    # All neurons alive (alive_mask is all True at init), so alive_idx == arange(N).
    # Dense pairwise distance matrix (the spatial radius-neighbor retrieval step).
    sq = jnp.sum(positions * positions, axis=1)
    d2 = sq[:, None] + sq[None, :] - 2.0 * (positions @ positions.T)
    d2 = jnp.maximum(d2, 0.0)
    dist = jnp.sqrt(d2 + 1e-9)
    n = positions.shape[0]
    eye = jnp.eye(n, dtype=bool)
    # connect to neighbors within each neuron's connection radius (excluding self)
    conn = (dist <= connection_radii[:, None]) & (~eye)
    w = jnp.exp(-dist / connection_radii[:, None]) * conn.astype(jnp.float32)
    w = w / (jnp.sum(w, axis=1, keepdims=True) + 1e-8)
    # input projection onto neuron field
    act = jnp.tanh(x @ input_weights.T)
    # iterative local message passing over spatial connections
    act = jax.lax.fori_loop(
        0,
        n_iterations,
        lambda _, a: jnp.tanh(a @ w.T + a - thresholds[None, :]),
        act,
    )
    # output projection
    out = act @ output_weights
    return out

if __name__ == "__main__":
    import jax
    _d = setup_inputs()
    print(jax.jit(kernel)(*tuple(_d.values())))

</pallas_src>

<mosaic_0001>
module attributes {stable_mosaic.version = 14 : i64} {
  func.func @_proj_kernel(%arg0: i32, %arg1: memref<1024x784xf32, #tpu.memory_space<vmem>>, %arg2: memref<64x784xf32, #tpu.memory_space<vmem>>, %arg3: memref<1024x64xf32, #tpu.memory_space<vmem>>) attributes {dimension_semantics = [#tpu.dimension_semantics<arbitrary>], iteration_bounds = array<i64: 8>, scalar_prefetch = 0 : i64, scratch_operands = 0 : i64, tpu.core_type = #tpu.core_type<tc>, window_params = [{transform_indices = @transform_0, window_bounds = array<i64: 1024, 784>}, {pipeline_mode = #tpu.pipeline_mode<synchronous>, transform_indices = @transform_1, window_bounds = array<i64: 64, 784>}, {transform_indices = @transform_2, window_bounds = array<i64: 1024, 64>}]} {
    %get3A = arith.constant 0 : index
    %get3A_0 = arith.constant 0 : index
    %get3A_1 = vector.load %arg1[%get3A, %get3A_0] : memref<1024x784xf32, #tpu.memory_space<vmem>>, vector<1024x784xf32>
    %get3A_2 = arith.constant 0 : index
    %get3A_3 = arith.constant 0 : index
    %get3A_4 = vector.load %arg2[%get3A_2, %get3A_3] : memref<64x784xf32, #tpu.memory_space<vmem>>, vector<64x784xf32>
    %dot_general3A = arith.constant dense<0.000000e+00> : vector<1024x64xf32>
    %dot_general3A_5 = tpu.matmul %get3A_1, %get3A_4, %dot_general3A {dimension_numbers = #tpu.dot_dimension_numbers<[1], [1], [0], [0], [0, 0, 1, 0], [], []>, transpose_lhs_hint = false} : vector<1024x784xf32>, vector<64x784xf32>, vector<1024x64xf32> -> vector<1024x64xf32>
    %tanh3A = math.tanh %dot_general3A_5 : vector<1024x64xf32>
    %swap3A = arith.constant 0 : index
    %swap3A_6 = arith.constant 0 : index
    %swap3A_7 = vector.load %arg3[%swap3A, %swap3A_6] : memref<1024x64xf32, #tpu.memory_space<vmem>>, vector<1024x64xf32>
    tpu.vector_store %arg3[%swap3A, %swap3A_6], %tanh3A {strides = array<i32>} : memref<1024x64xf32, #tpu.memory_space<vmem>>, vector<1024x64xf32>,
    return
  }
  func.func @transform_0(%arg0: i32) -> (i32, i32) {
    %c0_i32 = arith.constant 0 : i32
    %c0_i32_0 = arith.constant 0 : i32
    return %arg0, %c0_i32 : i32, i32
  }
  func.func @transform_1(%arg0: i32) -> (i32, i32) {
    %c0_i32 = arith.constant 0 : i32
    %c0_i32_0 = arith.constant 0 : i32
    %c0_i32_1 = arith.constant 0 : i32
    return %c0_i32, %c0_i32_0 : i32, i32
  }
  func.func @transform_2(%arg0: i32) -> (i32, i32) {
    %c0_i32 = arith.constant 0 : i32
    %c0_i32_0 = arith.constant 0 : i32
    return %arg0, %c0_i32 : i32, i32
  }
}

module attributes {stable_mosaic.version = 14 : i64} {
  func.func @_step_kernel(%arg0: i32, %arg1: memref<36xi32, #tpu.memory_space<smem>>, %arg2: memref<36xi32, #tpu.memory_space<smem>>, %arg3: memref<36xi32, #tpu.memory_space<smem>>, %arg4: memref<8192x8xf32, #tpu.memory_space<vmem>>, %arg5: memref<3x8192xf32, #tpu.memory_space<vmem>>, %arg6: memref<1x8192xf32, #tpu.memory_space<vmem>>, %arg7: memref<8192x65xbf16, #tpu.memory_space<vmem>>, %arg8: memref<65x8192xbf16, #tpu.memory_space<vmem>>, %arg9: memref<8192x64xf32, #tpu.memory_space<vmem>>, %arg10: memref<8192x64xf32, #tpu.memory_space<vmem>>, %arg11: memref<8192x65xf32, #tpu.memory_space<vmem>>, %arg12: memref<65x8192xf32, #tpu.memory_space<vmem>>) attributes {dimension_semantics = [#tpu.dimension_semantics<arbitrary>], iteration_bounds = array<i64: 36>, scalar_prefetch = 3 : i64, scratch_operands = 2 : i64, tpu.core_type = #tpu.core_type<tc>, window_params = [{pipeline_mode = #tpu.pipeline_mode<synchronous>, transform_indices = @transform_0, window_bounds = array<i64: 8192, 8>}, {pipeline_mode = #tpu.pipeline_mode<synchronous>, transform_indices = @transform_1, window_bounds = array<i64: 3, 8192>}, {pipeline_mode = #tpu.pipeline_mode<synchronous>, transform_indices = @transform_2, window_bounds = array<i64: 1, 8192>}, {pipeline_mode = #tpu.pipeline_mode<synchronous>, transform_indices = @transform_3, window_bounds = array<i64: 8192, 65>}, {pipeline_mode = #tpu.pipeline_mode<synchronous>, transform_indices = @transform_4, window_bounds = array<i64: 65, 8192>}, {pipeline_mode = #tpu.pipeline_mode<synchronous>, transform_indices = @transform_5, window_bounds = array<i64: 8192, 64>}, {pipeline_mode = #tpu.pipeline_mode<synchronous>, transform_indices = @transform_6, window_bounds = array<i64: 8192, 64>}]} {
    %get3A = arith.index_cast %arg0 : i32 to index
    %get3A_0 = memref.load %arg1[%get3A] : memref<36xi32, #tpu.memory_space<smem>>
    %get3A_1 = arith.index_cast %arg0 : i32 to index
    %get3A_2 = memref.load %arg2[%get3A_1] : memref<36xi32, #tpu.memory_space<smem>>
    %eq3A = arith.constant 0 : i32
    %eq3A_3 = arith.cmpi eq, %arg0, %eq3A : i32
    %convert_element_type3A = arith.extui %eq3A_3 : i1 to i32
    %cond3A = arith.constant 0 : i32
    %cond3A_4 = arith.cmpi ne, %convert_element_type3A, %cond3A : i32
    scf.if %cond3A_4 {
      %broadcast_in_dim3A = arith.constant 0.000000e+00 : f32
      %broadcast_in_dim3A_20 = vector.broadcast %broadcast_in_dim3A : f32 to vector<8192x65xf32>
      %swap3A = arith.constant 0 : index
      %swap3A_21 = arith.constant 0 : index
      %swap3A_22 = vector.load %arg11[%swap3A, %swap3A_21] : memref<8192x65xf32, #tpu.memory_space<vmem>>, vector<8192x65xf32>
      tpu.vector_store %arg11[%swap3A, %swap3A_21], %broadcast_in_dim3A_20 {strides = array<i32>} : memref<8192x65xf32, #tpu.memory_space<vmem>>, vector<8192x65xf32>,
      %broadcast_in_dim3A_23 = arith.constant 0.000000e+00 : f32
      %broadcast_in_dim3A_24 = vector.broadcast %broadcast_in_dim3A_23 : f32 to vector<65x8192xf32>
      %swap3A_25 = arith.constant 0 : index
      %swap3A_26 = arith.constant 0 : index
      %swap3A_27 = vector.load %arg12[%swap3A_25, %swap3A_26] : memref<65x8192xf32, #tpu.memory_space<vmem>>, vector<65x8192xf32>
      tpu.vector_store %arg12[%swap3A_25, %swap3A_26], %broadcast_in_dim3A_24 {strides = array<i32>} : memref<65x8192xf32, #tpu.memory_space<vmem>>, vector<65x8192xf32>,
    } else {
    }
    %gt3A = arith.cmpi sgt, %get3A_2, %get3A_0 : i32
    %get3A_5 = arith.index_cast %arg0 : i32 to index
    %get3A_6 = memref.load %arg3[%get3A_5] : memref<36xi32, #tpu.memory_space<smem>>
    %ne3A = arith.constant 0 : i32
    %ne3A_7 = arith.cmpi ne, %get3A_6, %ne3A : i32
    %and3A = arith.andi %gt3A, %ne3A_7 : i1
    %convert_element_type3A_8 = arith.extui %and3A : i1 to i32
    %cond3A_9 = arith.constant 0 : i32
    %cond3A_10 = arith.cmpi ne, %convert_element_type3A_8, %cond3A_9 : i32
    scf.if %cond3A_10 {
      %mul3A = arith.constant 1024 : i32
      %mul3A_20 = arith.muli %get3A_0, %mul3A : i32
      %get3A_21 = arith.index_cast %mul3A_20 : i32 to index
      %get3A_22 = arith.constant 0 : index
      %get3A_23 = vector.load %arg4[%get3A_21, %get3A_22] : memref<8192x8xf32, #tpu.memory_space<vmem>>, vector<1024x8xf32>
      %slice3A = vector.extract_strided_slice %get3A_23 {offsets = [0, 0], sizes = [1024, 3], strides = [1, 1]} : vector<1024x8xf32> to vector<1024x3xf32>
      %mul3A_24 = arith.constant 1024 : i32
      %mul3A_25 = arith.muli %get3A_2, %mul3A_24 : i32
      %get3A_26 = arith.constant 0 : index
      %get3A_27 = arith.index_cast %mul3A_25 : i32 to index
      %get3A_28 = vector.load %arg5[%get3A_26, %get3A_27] : memref<3x8192xf32, #tpu.memory_space<vmem>>, vector<3x1024xf32>
      %dot_general3A = arith.constant dense<0.000000e+00> : vector<1024x1024xf32>
      %dot_general3A_29 = tpu.matmul %slice3A, %get3A_28, %dot_general3A {dimension_numbers = #tpu.dot_dimension_numbers<[1], [0], [0], [1], [0, 0, 1, 1], [], []>, transpose_lhs_hint = false} : vector<1024x3xf32>, vector<3x1024xf32>, vector<1024x1024xf32> -> vector<1024x1024xf32>
      %slice3A_30 = vector.extract_strided_slice %get3A_23 {offsets = [0, 3], sizes = [1024, 1], strides = [1, 1]} : vector<1024x8xf32> to vector<1024x1xf32>
      %mul3A_31 = arith.constant 1024 : i32
      %mul3A_32 = arith.muli %get3A_2, %mul3A_31 : i32
      %get3A_33 = arith.constant 0 : index
      %get3A_34 = arith.index_cast %mul3A_32 : i32 to index
      %get3A_35 = vector.load %arg6[%get3A_33, %get3A_34] : memref<1x8192xf32, #tpu.memory_space<vmem>>, vector<1x1024xf32>
      %add3A = vector.broadcast %slice3A_30 : vector<1024x1xf32> to vector<1024x1024xf32>
      %add3A_36 = vector.broadcast %get3A_35 : vector<1x1024xf32> to vector<1024x1024xf32>
      %add3A_37 = arith.addf %add3A, %add3A_36 : vector<1024x1024xf32>
      %sub3A = arith.subf %add3A_37, %dot_general3A_29 : vector<1024x1024xf32>
      %max3A = arith.constant 9.99999971E-10 : f32
      %max3A_38 = vector.broadcast %max3A : f32 to vector<1024x1024xf32>
      %max3A_39 = arith.maximumf %sub3A, %max3A_38 : vector<1024x1024xf32>
      %slice3A_40 = vector.extract_strided_slice %get3A_23 {offsets = [0, 4], sizes = [1024, 1], strides = [1, 1]} : vector<1024x8xf32> to vector<1024x1xf32>
      %le3A = vector.broadcast %slice3A_40 : vector<1024x1xf32> to vector<1024x1024xf32>
      %le3A_41 = arith.cmpf ole, %max3A_39, %le3A : vector<1024x1024xf32>
      %rsqrt3A = math.rsqrt %max3A_39 : vector<1024x1024xf32>
      %mul3A_42 = arith.mulf %max3A_39, %rsqrt3A : vector<1024x1024xf32>
      %slice3A_43 = vector.extract_strided_slice %get3A_23 {offsets = [0, 5], sizes = [1024, 1], strides = [1, 1]} : vector<1024x8xf32> to vector<1024x1xf32>
      %mul3A_44 = vector.broadcast %slice3A_43 : vector<1024x1xf32> to vector<1024x1024xf32>
      %mul3A_45 = arith.mulf %mul3A_42, %mul3A_44 : vector<1024x1024xf32>
      %jit3A = arith.constant -1.500000e+02 : f32
      %broadcast_in_dim3A = vector.broadcast %jit3A : f32 to vector<1024x1024xf32>
      %select_n3A = arith.select %le3A_41, %mul3A_45, %broadcast_in_dim3A : vector<1024x1024xi1>, vector<1024x1024xf32>
      %exp23A = math.exp2 %select_n3A : vector<1024x1024xf32>
      %convert_element_type3A_46 = arith.truncf %exp23A : vector<1024x1024xf32> to vector<1024x1024xbf16>
      %mul3A_47 = arith.constant 1024 : i32
      %mul3A_48 = arith.muli %get3A_0, %mul3A_47 : i32
      %get3A_49 = arith.index_cast %mul3A_48 : i32 to index
      %get3A_50 = arith.constant 0 : index
      %get3A_51 = vector.load %arg11[%get3A_49, %get3A_50] : memref<8192x65xf32, #tpu.memory_space<vmem>>, vector<1024x65xf32>
      %mul3A_52 = arith.constant 1024 : i32
      %mul3A_53 = arith.muli %get3A_2, %mul3A_52 : i32
      %get3A_54 = arith.index_cast %mul3A_53 : i32 to index
      %get3A_55 = arith.constant 0 : index
      %get3A_56 = vector.load %arg7[%get3A_54, %get3A_55] : memref<8192x65xbf16, #tpu.memory_space<vmem>>, vector<1024x65xbf16>
      %dot_general3A_57 = arith.constant dense<0.000000e+00> : vector<1024x65xf32>
      %dot_general3A_58 = tpu.matmul %convert_element_type3A_46, %get3A_56, %dot_general3A_57 {dimension_numbers = #tpu.dot_dimension_numbers<[1], [0], [0], [1], [0, 0, 1, 1], [], []>, transpose_lhs_hint = false} : vector<1024x1024xbf16>, vector<1024x65xbf16>, vector<1024x65xf32> -> vector<1024x65xf32>
      %add3A_59 = arith.addf %get3A_51, %dot_general3A_58 : vector<1024x65xf32>
      %swap3A = arith.index_cast %mul3A_48 : i32 to index
      %swap3A_60 = arith.constant 0 : index
      %swap3A_61 = vector.load %arg11[%swap3A, %swap3A_60] : memref<8192x65xf32, #tpu.memory_space<vmem>>, vector<1024x65xf32>
      tpu.vector_store %arg11[%swap3A, %swap3A_60], %add3A_59 {strides = array<i32>} : memref<8192x65xf32, #tpu.memory_space<vmem>>, vector<1024x65xf32>,
      %mul3A_62 = arith.constant 1024 : i32
      %mul3A_63 = arith.muli %get3A_2, %mul3A_62 : i32
      %get3A_64 = arith.constant 0 : index
      %get3A_65 = arith.index_cast %mul3A_63 : i32 to index
      %get3A_66 = vector.load %arg12[%get3A_64, %get3A_65] : memref<65x8192xf32, #tpu.memory_space<vmem>>, vector<65x1024xf32>
      %mul3A_67 = arith.constant 1024 : i32
      %mul3A_68 = arith.muli %get3A_0, %mul3A_67 : i32
      %get3A_69 = arith.constant 0 : index
      %get3A_70 = arith.index_cast %mul3A_68 : i32 to index
      %get3A_71 = vector.load %arg8[%get3A_69, %get3A_70] : memref<65x8192xbf16, #tpu.memory_space<vmem>>, vector<65x1024xbf16>
      %dot_general3A_72 = arith.constant dense<0.000000e+00> : vector<65x1024xf32>
      %dot_general3A_73 = tpu.matmul %get3A_71, %convert_element_type3A_46, %dot_general3A_72 {dimension_numbers = #tpu.dot_dimension_numbers<[1], [0], [0], [1], [0, 0, 1, 1], [], []>, transpose_lhs_hint = false} : vector<65x1024xbf16>, vector<1024x1024xbf16>, vector<65x1024xf32> -> vector<65x1024xf32>
      %add3A_74 = arith.addf %get3A_66, %dot_general3A_73 : vector<65x1024xf32>
      %swap3A_75 = arith.constant 0 : index
      %swap3A_76 = arith.index_cast %mul3A_63 : i32 to index
      %swap3A_77 = vector.load %arg12[%swap3A_75, %swap3A_76] : memref<65x8192xf32, #tpu.memory_space<vmem>>, vector<65x1024xf32>
      tpu.vector_store %arg12[%swap3A_75, %swap3A_76], %add3A_74 {strides = array<i32>} : memref<65x8192xf32, #tpu.memory_space<vmem>>, vector<65x1024xf32>,
    } else {
    }
    %eq3A_11 = arith.cmpi eq, %get3A_2, %get3A_0 : i32
    %convert_element_type3A_12 = arith.extui %eq3A_11 : i1 to i32
    %cond3A_13 = arith.constant 0 : i32
    %cond3A_14 = arith.cmpi ne, %convert_element_type3A_12, %cond3A_13 : i32
    scf.if %cond3A_14 {
      %mul3A = arith.constant 1024 : i32
      %mul3A_20 = arith.muli %get3A_0, %mul3A : i32
      %get3A_21 = arith.index_cast %mul3A_20 : i32 to index
      %get3A_22 = arith.constant 0 : index
      %get3A_23 = vector.load %arg4[%get3A_21, %get3A_22] : memref<8192x8xf32, #tpu.memory_space<vmem>>, vector<1024x8xf32>
      %slice3A = vector.extract_strided_slice %get3A_23 {offsets = [0, 0], sizes = [1024, 3], strides = [1, 1]} : vector<1024x8xf32> to vector<1024x3xf32>
      %mul3A_24 = arith.constant 1024 : i32
      %mul3A_25 = arith.muli %get3A_2, %mul3A_24 : i32
      %get3A_26 = arith.constant 0 : index
      %get3A_27 = arith.index_cast %mul3A_25 : i32 to index
      %get3A_28 = vector.load %arg5[%get3A_26, %get3A_27] : memref<3x8192xf32, #tpu.memory_space<vmem>>, vector<3x1024xf32>
      %dot_general3A = arith.constant dense<0.000000e+00> : vector<1024x1024xf32>
      %dot_general3A_29 = tpu.matmul %slice3A, %get3A_28, %dot_general3A {dimension_numbers = #tpu.dot_dimension_numbers<[1], [0], [0], [1], [0, 0, 1, 1], [], []>, transpose_lhs_hint = false} : vector<1024x3xf32>, vector<3x1024xf32>, vector<1024x1024xf32> -> vector<1024x1024xf32>
      %slice3A_30 = vector.extract_strided_slice %get3A_23 {offsets = [0, 3], sizes = [1024, 1], strides = [1, 1]} : vector<1024x8xf32> to vector<1024x1xf32>
      %mul3A_31 = arith.constant 1024 : i32
      %mul3A_32 = arith.muli %get3A_2, %mul3A_31 : i32
      %get3A_33 = arith.constant 0 : index
      %get3A_34 = arith.index_cast %mul3A_32 : i32 to index
      %get3A_35 = vector.load %arg6[%get3A_33, %get3A_34] : memref<1x8192xf32, #tpu.memory_space<vmem>>, vector<1x1024xf32>
      %add3A = vector.broadcast %slice3A_30 : vector<1024x1xf32> to vector<1024x1024xf32>
      %add3A_36 = vector.broadcast %get3A_35 : vector<1x1024xf32> to vector<1024x1024xf32>
      %add3A_37 = arith.addf %add3A, %add3A_36 : vector<1024x1024xf32>
      %sub3A = arith.subf %add3A_37, %dot_general3A_29 : vector<1024x1024xf32>
      %max3A = arith.constant 9.99999971E-10 : f32
      %max3A_38 = vector.broadcast %max3A : f32 to vector<1024x1024xf32>
      %max3A_39 = arith.maximumf %sub3A, %max3A_38 : vector<1024x1024xf32>
      %slice3A_40 = vector.extract_strided_slice %get3A_23 {offsets = [0, 4], sizes = [1024, 1], strides = [1, 1]} : vector<1024x8xf32> to vector<1024x1xf32>
      %le3A = vector.broadcast %slice3A_40 : vector<1024x1xf32> to vector<1024x1024xf32>
      %le3A_41 = arith.cmpf ole, %max3A_39, %le3A : vector<1024x1024xf32>
      %rsqrt3A = math.rsqrt %max3A_39 : vector<1024x1024xf32>
      %mul3A_42 = arith.mulf %max3A_39, %rsqrt3A : vector<1024x1024xf32>
      %slice3A_43 = vector.extract_strided_slice %get3A_23 {offsets = [0, 5], sizes = [1024, 1], strides = [1, 1]} : vector<1024x8xf32> to vector<1024x1xf32>
      %mul3A_44 = vector.broadcast %slice3A_43 : vector<1024x1xf32> to vector<1024x1024xf32>
      %mul3A_45 = arith.mulf %mul3A_42, %mul3A_44 : vector<1024x1024xf32>
      %jit3A = arith.constant -1.500000e+02 : f32
      %broadcast_in_dim3A = vector.broadcast %jit3A : f32 to vector<1024x1024xf32>
      %select_n3A = arith.select %le3A_41, %mul3A_45, %broadcast_in_dim3A : vector<1024x1024xi1>, vector<1024x1024xf32>
      %iota3A = tpu.iota {dimensions = array<i32: 0>} : vector<1024x1024xi32>
      %iota3A_46 = tpu.iota {dimensions = array<i32: 1>} : vector<1024x1024xi32>
      %ne3A_47 = arith.cmpi ne, %iota3A, %iota3A_46 : vector<1024x1024xi32>
      %jit3A_48 = arith.constant -1.500000e+02 : f32
      %broadcast_in_dim3A_49 = vector.broadcast %jit3A_48 : f32 to vector<1024x1024xf32>
      %select_n3A_50 = arith.select %ne3A_47, %select_n3A, %broadcast_in_dim3A_49 : vector<1024x1024xi1>, vector<1024x1024xf32>
      %exp23A = math.exp2 %select_n3A_50 : vector<1024x1024xf32>
      %convert_element_type3A_51 = arith.truncf %exp23A : vector<1024x1024xf32> to vector<1024x1024xbf16>
      %mul3A_52 = arith.constant 1024 : i32
      %mul3A_53 = arith.muli %get3A_0, %mul3A_52 : i32
      %get3A_54 = arith.index_cast %mul3A_53 : i32 to index
      %get3A_55 = arith.constant 0 : index
      %get3A_56 = vector.load %arg11[%get3A_54, %get3A_55] : memref<8192x65xf32, #tpu.memory_space<vmem>>, vector<1024x65xf32>
      %mul3A_57 = arith.constant 1024 : i32
      %mul3A_58 = arith.muli %get3A_0, %mul3A_57 : i32
      %get3A_59 = arith.index_cast %mul3A_58 : i32 to index
      %get3A_60 = arith.constant 0 : index
      %get3A_61 = vector.load %arg7[%get3A_59, %get3A_60] : memref<8192x65xbf16, #tpu.memory_space<vmem>>, vector<1024x65xbf16>
      %dot_general3A_62 = arith.constant dense<0.000000e+00> : vector<1024x65xf32>
      %dot_general3A_63 = tpu.matmul %convert_element_type3A_51, %get3A_61, %dot_general3A_62 {dimension_numbers = #tpu.dot_dimension_numbers<[1], [0], [0], [1], [0, 0, 1, 1], [], []>, transpose_lhs_hint = false} : vector<1024x1024xbf16>, vector<1024x65xbf16>, vector<1024x65xf32> -> vector<1024x65xf32>
      %add3A_64 = arith.addf %get3A_56, %dot_general3A_63 : vector<1024x65xf32>
      %swap3A = arith.index_cast %mul3A_53 : i32 to index
      %swap3A_65 = arith.constant 0 : index
      %swap3A_66 = vector.load %arg11[%swap3A, %swap3A_65] : memref<8192x65xf32, #tpu.memory_space<vmem>>, vector<1024x65xf32>
      tpu.vector_store %arg11[%swap3A, %swap3A_65], %add3A_64 {strides = array<i32>} : memref<8192x65xf32, #tpu.memory_space<vmem>>, vector<1024x65xf32>,
    } else {
    }
    %eq3A_15 = arith.constant 7 : i32
    %eq3A_16 = arith.cmpi eq, %get3A_2, %eq3A_15 : i32
    %convert_element_type3A_17 = arith.extui %eq3A_16 : i1 to i32
    %cond3A_18 = arith.constant 0 : i32
    %cond3A_19 = arith.cmpi ne, %convert_element_type3A_17, %cond3A_18 : i32
    scf.if %cond3A_19 {
      %mul3A = arith.constant 1024 : i32
      %mul3A_20 = arith.muli %get3A_0, %mul3A : i32
      %get3A_21 = arith.index_cast %mul3A_20 : i32 to index
      %get3A_22 = arith.constant 0 : index
      %get3A_23 = vector.load %arg11[%get3A_21, %get3A_22] : memref<8192x65xf32, #tpu.memory_space<vmem>>, vector<1024x65xf32>
      %mul3A_24 = arith.constant 1024 : i32
      %mul3A_25 = arith.muli %get3A_0, %mul3A_24 : i32
      %get3A_26 = arith.constant 0 : index
      %get3A_27 = arith.index_cast %mul3A_25 : i32 to index
      %get3A_28 = vector.load %arg12[%get3A_26, %get3A_27] : memref<65x8192xf32, #tpu.memory_space<vmem>>, vector<65x1024xf32>
      %transpose3A = tpu.transpose %get3A_28, [1, 0] : vector<65x1024xf32> -> vector<1024x65xf32>
      %add3A = arith.addf %get3A_23, %transpose3A : vector<1024x65xf32>
      %slice3A = vector.extract_strided_slice %add3A {offsets = [0, 64], sizes = [1024, 1], strides = [1, 1]} : vector<1024x65xf32> to vector<1024x1xf32>
      %add3A_29 = arith.constant 9.99999993E-9 : f32
      %add3A_30 = vector.broadcast %add3A_29 : f32 to vector<1024x1xf32>
      %add3A_31 = arith.addf %slice3A, %add3A_30 : vector<1024x1xf32>
      %slice3A_32 = vector.extract_strided_slice %add3A {offsets = [0, 0], sizes = [1024, 64], strides = [1, 1]} : vector<1024x65xf32> to vector<1024x64xf32>
      %div3A = vector.broadcast %add3A_31 : vector<1024x1xf32> to vector<1024x64xf32>
      %div3A_33 = arith.divf %slice3A_32, %div3A : vector<1024x64xf32>
      %mul3A_34 = arith.constant 1024 : i32
      %mul3A_35 = arith.muli %get3A_0, %mul3A_34 : i32
      %get3A_36 = arith.index_cast %mul3A_35 : i32 to index
      %get3A_37 = arith.constant 0 : index
      %get3A_38 = vector.load %arg9[%get3A_36, %get3A_37] : memref<8192x64xf32, #tpu.memory_space<vmem>>, vector<1024x64xf32>
      %add3A_39 = arith.addf %div3A_33, %get3A_38 : vector<1024x64xf32>
      %mul3A_40 = arith.constant 1024 : i32
      %mul3A_41 = arith.muli %get3A_0, %mul3A_40 : i32
      %get3A_42 = arith.index_cast %mul3A_41 : i32 to index
      %get3A_43 = arith.constant 6 : index
      %get3A_44 = vector.load %arg4[%get3A_42, %get3A_43] : memref<8192x8xf32, #tpu.memory_space<vmem>>, vector<1024x1xf32>
      %sub3A = vector.broadcast %get3A_44 : vector<1024x1xf32> to vector<1024x64xf32>
      %sub3A_45 = arith.subf %add3A_39, %sub3A : vector<1024x64xf32>
      %tanh3A = math.tanh %sub3A_45 : vector<1024x64xf32>
      %mul3A_46 = arith.constant 1024 : i32
      %mul3A_47 = arith.muli %get3A_0, %mul3A_46 : i32
      %swap3A = arith.index_cast %mul3A_47 : i32 to index
      %swap3A_48 = arith.constant 0 : index
      %swap3A_49 = vector.load %arg10[%swap3A, %swap3A_48] : memref<8192x64xf32, #tpu.memory_space<vmem>>, vector<1024x64xf32>
      tpu.vector_store %arg10[%swap3A, %swap3A_48], %tanh3A {strides = array<i32>} : memref<8192x64xf32, #tpu.memory_space<vmem>>, vector<1024x64xf32>,
    } else {
    }
    return
  }
  func.func @transform_0(%arg0: i32, %arg1: memref<36xi32, #tpu.memory_space<smem>>, %arg2: memref<36xi32, #tpu.memory_space<smem>>, %arg3: memref<36xi32, #tpu.memory_space<smem>>) -> (i32, i32) {
    %c0_i32 = arith.constant 0 : i32
    %c0_i32_0 = arith.constant 0 : i32
    %c0_i32_1 = arith.constant 0 : i32
    return %c0_i32, %c0_i32_0 : i32, i32
  }
  func.func @transform_1(%arg0: i32, %arg1: memref<36xi32, #tpu.memory_space<smem>>, %arg2: memref<36xi32, #tpu.memory_space<smem>>, %arg3: memref<36xi32, #tpu.memory_space<smem>>) -> (i32, i32) {
    %c0_i32 = arith.constant 0 : i32
    %c0_i32_0 = arith.constant 0 : i32
    %c0_i32_1 = arith.constant 0 : i32
    return %c0_i32, %c0_i32_0 : i32, i32
  }
  func.func @transform_2(%arg0: i32, %arg1: memref<36xi32, #tpu.memory_space<smem>>, %arg2: memref<36xi32, #tpu.memory_space<smem>>, %arg3: memref<36xi32, #tpu.memory_space<smem>>) -> (i32, i32) {
    %c0_i32 = arith.constant 0 : i32
    %c0_i32_0 = arith.constant 0 : i32
    %c0_i32_1 = arith.constant 0 : i32
    return %c0_i32, %c0_i32_0 : i32, i32
  }
  func.func @transform_3(%arg0: i32, %arg1: memref<36xi32, #tpu.memory_space<smem>>, %arg2: memref<36xi32, #tpu.memory_space<smem>>, %arg3: memref<36xi32, #tpu.memory_space<smem>>) -> (i32, i32) {
    %c0_i32 = arith.constant 0 : i32
    %c0_i32_0 = arith.constant 0 : i32
    %c0_i32_1 = arith.constant 0 : i32
    return %c0_i32, %c0_i32_0 : i32, i32
  }
  func.func @transform_4(%arg0: i32, %arg1: memref<36xi32, #tpu.memory_space<smem>>, %arg2: memref<36xi32, #tpu.memory_space<smem>>, %arg3: memref<36xi32, #tpu.memory_space<smem>>) -> (i32, i32) {
    %c0_i32 = arith.constant 0 : i32
    %c0_i32_0 = arith.constant 0 : i32
    %c0_i32_1 = arith.constant 0 : i32
    return %c0_i32, %c0_i32_0 : i32, i32
  }
  func.func @transform_5(%arg0: i32, %arg1: memref<36xi32, #tpu.memory_space<smem>>, %arg2: memref<36xi32, #tpu.memory_space<smem>>, %arg3: memref<36xi32, #tpu.memory_space<smem>>) -> (i32, i32) {
    %c0_i32 = arith.constant 0 : i32
    %c0_i32_0 = arith.constant 0 : i32
    %c0_i32_1 = arith.constant 0 : i32
    return %c0_i32, %c0_i32_0 : i32, i32
  }
  func.func @transform_6(%arg0: i32, %arg1: memref<36xi32, #tpu.memory_space<smem>>, %arg2: memref<36xi32, #tpu.memory_space<smem>>, %arg3: memref<36xi32, #tpu.memory_space<smem>>) -> (i32, i32) {
    %c0_i32 = arith.constant 0 : i32
    %c0_i32_0 = arith.constant 0 : i32
    %c0_i32_1 = arith.constant 0 : i32
    return %c0_i32, %c0_i32_0 : i32, i32
  }
}

module attributes {stable_mosaic.version = 14 : i64} {
  func.func @_out_kernel(%arg0: memref<8192x64xf32, #tpu.memory_space<vmem>>, %arg1: memref<8192x10xf32, #tpu.memory_space<vmem>>, %arg2: memref<64x10xf32, #tpu.memory_space<vmem>>) attributes {dimension_semantics = [], scalar_prefetch = 0 : i64, scratch_operands = 0 : i64, tpu.core_type = #tpu.core_type<tc>} {
    %get3A = arith.constant 0 : index
    %get3A_0 = arith.constant 0 : index
    %get3A_1 = vector.load %arg0[%get3A, %get3A_0] : memref<8192x64xf32, #tpu.memory_space<vmem>>, vector<8192x64xf32>
    %get3A_2 = arith.constant 0 : index
    %get3A_3 = arith.constant 0 : index
    %get3A_4 = vector.load %arg1[%get3A_2, %get3A_3] : memref<8192x10xf32, #tpu.memory_space<vmem>>, vector<8192x10xf32>
    %dot_general3A = arith.constant dense<0.000000e+00> : vector<64x10xf32>
    %dot_general3A_5 = tpu.matmul %get3A_1, %get3A_4, %dot_general3A {dimension_numbers = #tpu.dot_dimension_numbers<[0], [0], [1], [1], [0, 1, 1, 1], [], []>, transpose_lhs_hint = false} : vector<8192x64xf32>, vector<8192x10xf32>, vector<64x10xf32> -> vector<64x10xf32>
    %swap3A = arith.constant 0 : index
    %swap3A_6 = arith.constant 0 : index
    %swap3A_7 = vector.load %arg2[%swap3A, %swap3A_6] : memref<64x10xf32, #tpu.memory_space<vmem>>, vector<64x10xf32>
    tpu.vector_store %arg2[%swap3A, %swap3A_6], %dot_general3A_5 {strides = array<i32>} : memref<64x10xf32, #tpu.memory_space<vmem>>, vector<64x10xf32>,
    return
  }
}

</mosaic_0001>

<sc_bundles>
// kernel: gather_offload_async_start.1
scs
__scs_entry_jumppad:
0x0: {  	(pc) =	sbr.rel $0x88, $3  }
0x1: {  	(tag) =	ssettag $0x0;
	lr =	simm.s32 $0x1  }
0x2: {  	[smem:$0x3F9A] =	sst lr;
	_ =	strace $0xD0000000  }
0x3: {  	_ = 	snop  }
0x4: {  	_ = 	snop  }
0x5: {  	_ = 	snop  }
0x6: {  	_ = 	snop  }
0x7: {  	_ = 	snop  }
__scs_overlays_trampoline_lowered:
0x8: {  	[smem:$0x3FA9] =	sst s0  }
0x9: {  	[smem:$0x3FAA] =	sst s1  }
0xa: {  	[smem:$0x3FAB] =	sst s2  }
0xb: {  	[smem:$0x3FAC] =	sst s3  }
0xc: {  	[smem:$0x3FAD] =	sst s4  }
0xd: {  	[smem:$0x3FAE] =	sst s5  }
0xe: {  	[smem:$0x3FAF] =	sst s6  }
0xf: {  	[smem:$0x3FB0] =	sst s7  }
0x10: {  	[smem:$0x3FB1] =	sst s8  }
0x11: {  	[smem:$0x3FB2] =	sst s9;
	s0 =	simm.s32 @!p0 $0x0  }
0x12: {  	s1 =	sld [smem:$0x3F98];
	s0 =	simm.s32 @p0 $0x1  }
0x13: {  	[smem:$0x3FB3] =	sst s0;
	s0 =	simm.s32 @!p1 $0x0  }
0x14: {  	s2 =	sld [smem:$0x3F97];
	s0 =	simm.s32 @p1 $0x1  }
0x15: {  	[smem:$0x3FB4] =	sst s0;
	s0 =	simm.s32 @!p2 $0x0  }
0x16: {  	s3 =	sld [smem:$0x3FDB];
	s0 =	simm.s32 @p2 $0x1  }
0x17: {  	s4 =	simm.s32 $0x1BF5;
	[smem:$0x3FB6] =	sst s0  }
0x18: {  	s0 =	sld [smem:$0x3F99];
	_ =	swait.ge [sflag:s4], $0x0  }
0x19: {  	s7 =	sld [smem:$0x3F9A]  }
0x1a: {  	s8 =	sadd.s32 $0xFFFFE003, lr  }
0x1b: {  	s9 =	sadd.s32 $0xFFFFFEF7, lr;
	s5 =	simm.s32 $0xFFFFFFFF;
	p2 =	slt.u32 s8, $0xFFFFF086  }
0x1c: {  	p1 =	slt.u32 s9, $0xF7A;
	s5 =	simm.s32 @!p2 $0x0  }
0x1d: {  	s5 =	simm.s32 @p1 $0x1;
	p0 =	seq.s32 s7, s2  }
0x1e: {  	s7 =	smul.u32 @!p0 $0xF7A, s2;
	p2 =	seq.s32 @!p0 s5, $0x0  }
0x1f: {  	s9 =	smul.u32 $0xF7A, s1;
	s8 =	simm.s32 @!p0 $0x1BF5;
	p2 =	por !p2, p0  }
0x20: {  	[sflag:s8] =	ssyncset.s32 @!p0 $0xFFFFF086;
	s6 =	sadd.s32 @!p0 s3, s7;
	s7 =	simm.s32 @!p0 $0x108  }
0x21: {  	s3 =	sadd.s32 s3, s9;
	s6 =	sadd.s32 @!p0 $0x88, s6;
	s7 =	simm.s32 @p2 $0x1082  }
0x22: {  	[simem:s7], [sflag:s8] =	dma.local @!p0 [hbm:s6], $0xF7A  }
0x23: {  	s9 =	sor.u32 $0xD0000000, s2;
	s6 =	simm.s32 $0x108;
	_ =	swait.ge @!p0 [sflag:s8], $0x0  }
0x24: {  	s3 =	sadd.s32 $0x88, s3;
	s6 =	simm.s32 @!p1 $0x1082;
	[sflag:s4] =	ssyncset.s32 $0xFFFFF086  }
0x25: {  	[simem:s6], [sflag:s4] =	dma.local [hbm:s3], $0xF7A  }
0x26: {  	[smem:$0x3F9A] =	sst s1;
	(tag) =	ssettag s2;
	_ =	strace s9  }
0x27: {  	s1 =	sld [smem:$0x3FAA]  }
0x28: {  	s2 =	sld [smem:$0x3FAB]  }
0x29: {  	s4 =	sld [smem:$0x3FAD]  }
0x2a: {  	p0 =	seq.s32 s5, $0x0;
	s5 =	sld [smem:$0x3FAE]  }
0x2b: {  	s6 =	sld [smem:$0x3FAF]  }
0x2c: {  	s7 =	sld [smem:$0x3FB0]  }
0x2d: {  	s3 =	simm.s32 $0x108;
	s8 =	sld [smem:$0x3FB1]  }
0x2e: {  	s3 =	simm.s32 @!p0 $0x1082;
	s9 =	sld [smem:$0x3FB2]  }
0x2f: {  	lr =	sadd.s32 s0, s3;
	s0 =	sld [smem:$0x3FA9]  }
0x30: {  	s3 =	sld [smem:$0x3FAC]  }
0x31: {  	[smem:$0x3FB5] =	sst s10  }
0x32: {  	s10 =	sld [smem:$0x3FB3];
	_ =	sdelay $0x3  }
0x33: {  	p0 =	seq.s32 s10, $0x1;
	s10 =	sld [smem:$0x3FB5];
	_ =	sdelay $0x3  }
0x34: {  	[smem:$0x3FB5] =	sst s10  }
0x35: {  	s10 =	sld [smem:$0x3FB4];
	_ =	sdelay $0x3  }
0x36: {  	p1 =	seq.s32 s10, $0x1;
	s10 =	sld [smem:$0x3FB5];
	_ =	sdelay $0x3  }
0x37: {  	[smem:$0x3FB5] =	sst s10  }
0x38: {  	s10 =	sld [smem:$0x3FB6]  }
0x39: {  	_ = 	snop;
	(pc) =	sbr.ind lr, $3  }
0x3a: {  	_ = 	snop  }
0x3b: {  	_ = 	snop  }
0x3c: {  	p2 =	seq.s32 s10, $0x1;
	s10 =	sld [smem:$0x3FB5]  }
0x3d: {  	_ =	shalt  }
0x3e: {  	_ =	shalt  }
0x3f: {  	_ =	shalt  }
0x40: {  	_ =	shalt  }
0x41: {  	_ =	shalt  }
0x42: {  	_ =	shalt  }
0x43: {  	_ =	shalt  }
0x44: {  	_ =	shalt  }
0x45: {  	_ =	shalt  }
0x46: {  	_ =	shalt  }
0x47: {  	_ =	shalt  }
0x48: {  	_ =	shalt  }
0x49: {  	_ =	shalt  }
0x4a: {  	_ =	shalt  }
0x4b: {  	_ =	shalt  }
0x4c: {  	_ =	shalt  }
0x4d: {  	_ =	shalt  }
0x4e: {  	_ =	shalt  }
0x4f: {  	_ =	shalt  }
0x50: {  	_ =	shalt  }
0x51: {  	_ =	shalt  }
0x52: {  	_ =	shalt  }
0x53: {  	_ =	shalt  }
0x54: {  	_ =	shalt  }
0x55: {  	_ =	shalt  }
0x56: {  	_ =	shalt  }
0x57: {  	_ =	shalt  }
0x58: {  	_ =	shalt  }
0x59: {  	_ =	shalt  }
0x5a: {  	_ =	shalt  }
0x5b: {  	_ =	shalt  }
0x5c: {  	_ =	shalt  }
0x5d: {  	_ =	shalt  }
0x5e: {  	_ =	shalt  }
0x5f: {  	_ =	shalt  }
0x60: {  	_ =	shalt  }
0x61: {  	_ =	shalt  }
0x62: {  	_ =	shalt  }
0x63: {  	_ =	shalt  }
0x64: {  	_ =	shalt  }
0x65: {  	_ =	shalt  }
0x66: {  	_ =	shalt  }
0x67: {  	_ =	shalt  }
0x68: {  	_ =	shalt  }
0x69: {  	_ =	shalt  }
0x6a: {  	_ =	shalt  }
0x6b: {  	_ =	shalt  }
0x6c: {  	_ =	shalt  }
0x6d: {  	_ =	shalt  }
0x6e: {  	_ =	shalt  }
0x6f: {  	_ =	shalt  }
0x70: {  	_ =	shalt  }
0x71: {  	_ =	shalt  }
0x72: {  	_ =	shalt  }
0x73: {  	_ =	shalt  }
0x74: {  	_ =	shalt  }
0x75: {  	_ =	shalt  }
0x76: {  	_ =	shalt  }
0x77: {  	_ =	shalt  }
0x78: {  	_ =	shalt  }
0x79: {  	_ =	shalt  }
0x7a: {  	_ =	shalt  }
0x7b: {  	_ =	shalt  }
0x7c: {  	_ =	shalt  }
0x7d: {  	_ =	shalt  }
0x7e: {  	_ =	shalt  }
0x7f: {  	_ =	shalt  }
0x80: {  	_ =	shalt  }
0x81: {  	_ =	shalt  }
0x82: {  	_ =	shalt  }
0x83: {  	_ =	shalt  }
0x84: {  	_ =	shalt  }
0x85: {  	_ =	shalt  }
0x86: {  	_ =	shalt  }
0x87: {  	_ =	shalt  }
.Lfunc_end0:
.L_simem_size_0:
called_computation.1_lowered:
.L_overlay_start_0:
0x88: {  	s2 =	sld [smem:$0x3FD9]  }
0x89: {  	s3 =	sld [smem:$0x3FFE];
	_ =	sdelay $0x1  }
0x8a: {  	s1 =	srdreg.scid  }
0x8b: {  	s0 =	sand.u32 $0x1, s1  }
0x8c: {  	s17 =	sshll.u32 s0, $0xA;
	s2 =	sadd.s32 s3, s2  }
0x8d: {  	s2 =	sadd.s32 s2, s17  }
0x8e: {  	[smem:$0x3FC1] =	sst s2  }
0x8f: {  	_ = 	snop  }
0x90: {  	s2 =	sld [smem:$0x3FC5];
	(tm) =	ssettm $0x1  }
0x91: {  	s18 =	sld [smem:$0x3FFB];
	_ =	sdelay $0x3  }
0x92: {  	_ =	strace s18  }
0x93: {  	s3 =	sld [smem:$0x3FFC];
	_ =	sdelay $0x3  }
0x94: {  	_ =	strace s3  }
0x95: {  	s3 =	sld [smem:$0x3FFD];
	_ =	sdelay $0x3  }
0x96: {  	_ =	strace s3  }
0x97: {  	_ =	strace $0x8FFFFFFF  }
0x98: {  	s19 =	sld [smem:$0x3FDB];
	_ =	sdelay $0x1  }
0x99: {  	s4 =	simm.s32 $_scs_section_size  }
0x9a: {  	s5 =	simm.s32 $_size__tile_overlayer_lowered;
	s6 =	simm.s32 $_tile_overlayer_lowered  }
0x9b: {  	s22 =	simm.s32 $0x1BFF;
	s21 =	sshll.u32 s6, $0x1;
	s3 =	sadd.s32 s4, s19  }
0x9c: {  	s7 =	simm.s32 $0x0;
	s20 =	sshll.u32 s5, $0x1;
	s5 =	sadd.s32 s21, s3  }
0x9d: {  	[timem:s7], [sflag:s22] =	dma.local [hbm:s5], s20  }
0x9e: {  	_ =	swait.ge [sflag:s22], s20  }
0x9f: {  	s4 =	ssub.s32 $0x0, s20;
	[sflag:s22] =	ssyncset.done $0x0  }
0xa0: {  	[sflag:s22] =	ssyncadd.s32 s4;
	_ =	sdelay $0x1  }
0xa1: {  	s23 =	simm.s32 $0x1B8B  }
0xa2: {  	_ =	swait.ge [sflag:s23], $0x1  }
0xa3: {  	[sflag:s23] =	ssyncset.done $0x0  }
0xa4: {  	s25 =	simm.s32 $0x1B8E;
	s24 =	sld [smem:$0x3FFE];
	[sflag:s23] =	ssyncadd.s32 $0xFFFFFFFF  }
0xa5: {  	s26 =	simm.s32 $execute0_lowered;
	[smem:$0x3FD2] =	sst s25  }
0xa6: {  	s5 =	sshll.u32 s26, $0x1;
	_ =	strace $0x80000046;
	[dreg:$0x1] =	wrdreg $0xFFFFFFFF  }
0xa7: {  	s28 =	simm.s32 $_size_execute0_lowered;
	s3 =	sadd.s32 s3, s5;
	[dreg:$0x0] =	wrdreg $0x0  }
0xa8: {  	s5 =	sshll.u32 s28, $0x1;
	[dreg:$0x2] =	wrdreg s3  }
0xa9: {  	[dreg:$0x3] =	wrdreg s5  }
0xaa: {  	[dreg:$0x4] =	wrdreg $0xC0  }
0xab: {  	_ =	task [dreg:s7], $0x5FFFF  }
0xac: {  	[dreg:$0x1] =	wrdreg $0xFFFFFFFF  }
0xad: {  	[dreg:$0x0] =	wrdreg $0x60  }
0xae: {  	[dreg:$0x2] =	wrdreg s2  }
0xaf: {  	[dreg:$0x3] =	wrdreg s24  }
0xb0: {  	[dreg:$0x4] =	wrdreg $0xA  }
0xb1: {  	_ =	task.clear_ibuf [dreg:s7], $0x5FFFF;
	_ =	strace $0x90000046  }
0xb2: {  	s29 =	simm.s32 $0xA;
	_ =	strace $0x80000048  }
0xb3: {  	_ =	swait.ge [sflag:s29], $0x1  }
0xb4: {  	[sflag:s29] =	ssyncadd.s32 $0xFFFFFFFF  }
0xb5: {  	_ =	strace $0x90000048  }
0xb6: {  	_ =	sfence  }
0xb7: {  	s30 =	sld [smem:$0x0];
	_ =	sdelay $0x2  }
0xb8: {  	s31 =	sshll.u32 s1, $0xD;
	s1 =	sshrl.u32 s1, $0x2  }
0xb9: {  	s3 =	sand.u32 $0x4000, s31;
	s1 =	sadd.s32 s1, s30  }
0xba: {  	s0 =	sor.u32 s3, s0;
	s1 =	sshll.u32 s1, $0x11  }
0xbb: {  	s0 =	sor.u32 s1, s0  }
0xbc: {  	s0 =	sadd.s32 $0x8F2B, s0  }
0xbd: {  	[sflag:s0] =	ssyncadd.remote.s32 $0x1  }
0xbe: {  	_ =	sfence.sel $0xFFFF  }
0xbf: {  	[dreg:$0x0] =	wrdreg $0xFFFFFFFF;
	(pc) =	sbr.abs _section_cstart, $3  }
0xc0: {  	[dreg:$0x1] =	wrdreg $0xFFFFFFFF  }
0xc1: {  	_ =	task.clear_ibuf [dreg:s7], $0x2FFFF;
	_ =	strace $0x9FFFFFFF  }
0xc2: {  	(tm) =	ssettm $0x7FFFFFFF  }
0xc3: {  	_ =	shalt  }
tec
execute0_lowered:
.L_overlay_start_1:
0x0: {  	(tag) =	ssettag $0x1  }
0x1: {  	s1 =	srdreg.scid;
	s2 =	rddreg [dreg:$0x0]  }
0x2: {  	s0 =	stileid.u32;
	s5 =	rddreg [dreg:$0x1];
	s6 =	simm.s32 $0x1  }
0x3: {  	s9 =	simm.s32 $0x1;
	s10 =	simm.s32 $0x3;
	s1 =	sshll.u32 s1, $0x7  }
0x4: {  	s13 =	simm.s32 $0x0;
	s3 =	sshll.u32 s0, $0x8;
	s4 =	sand.u32 $0x80, s1  }
0x5: {  	s12 =	simm.s32 $0x0;
	s1 =	rddreg [dreg:$0x2];
	s3 =	sor.u32 s3, s4  }
0x6: {  	_ =	strace $0x80000047;
	s4 =	sadd.s32 $0x100000, s5;
	s8 =	ssub.s32 $0x2000, s3  }
.Ltmp0:
0x7: {  	s5 =	sadd.s32 $0x120400, s5;
	s7 =	sand.u32 $0xF80, s8;
	(pc) =	sbr.rel .LBB2_1-.Ltmp0, $4  }
0x8: {  	[sflag:s6] =	ssyncpa.u1 $0x0;
	s11 =	smov.u32 s3;
	p0 =	sne.s32 s7, $0x0  }
0x9: {  	s8 =	sshrl.u32 s8, $0xC;
	s7 =	simm.s32 $0x2;
	s9 =	simm.s32 @!p0 $0x0  }
0xa: {  	[sflag:s7] =	ssyncpa.u1 $0x0;
	p0 =	por $0x0, $0x0;
	s8 =	sadd.s32 s9, s8  }
0xb: {  	vm0 =	vmmov $0xffff;
	[sflag:s10] =	ssyncpa.u1 $0x0;
	s10 =	simm.s32 $0x0;
	s9 =	sadd.s32 $0x1, s8  }
.LBB2_4:
0xc: {  	v2 =	vnsel vm1, $0x0, v2  }
0xd: {  	vm1 =	vgt.s32 v0, $0x0;
	v2 =	vmin.u32 v2, $0x1FFF  }
0xe: {  	v0 =	vnsel vm1, $0x0, v0  }
0xf: {  	v0 =	vmin.u32 v0, $0x1FFF  }
0x10: {  	[tilespmem:s15], [sflag:$0x1] =	stream.indirect_vreg.gather [hbm4b:s2+s10], $0x1, v1, vm0, $0x4038;
	[tilespmem:$0x200] =	vst v63  }
0x11: {  	(ifvalue) =	ssetifvalue $0x7FFFFFFF  }
0x12: {  	[tilespmem:s16], [sflag:$0x1] =	stream.indirect_vreg.gather [hbm4b:s2+s10], $0x1, v2, vm0, $0x4038;
	[tilespmem:$0x200] =	vst v63  }
0x13: {  	s29 =	sadd.s32 $0x10, s16;
	(ifvalue) =	ssetifvalue $0x7FFFFFFF  }
0x14: {  	[tilespmem:s29], [sflag:$0x1] =	stream.indirect_vreg.gather [hbm4b:s2+s10], $0x1, v0, vm0, $0x4038;
	[tilespmem:$0x200] =	vst v63  }
0x15: {  	_ =	swait.ge [sflag:s6], $0x80  }
0x16: {  	s30 =	sshrl.u32 s13, $0x3;
	[sflag:s6] =	ssyncset.done $0x0  }
0x17: {  	s31 =	sand.u32 $0x7, s13;
	s15 =	sadd.s32 s5, s30;
	[sflag:s6] =	ssyncadd.s32 $0xFFFFFF80  }
0x18: {  	[hbm4b:s15+s31] =	stream.linear.scatter [tilespmem:s14], [sflag:$0x3], $0x80, $0x38;
	[tilespmem:$0x200] =	vst v63  }
.LBB2_5:
0x19: {  	s15 =	sadd.s32 $0x1000, s11  }
0x1a: {  	p2 =	sgt.s32 s15, $0x1FFF  }
0x1b: {  	s15 =	smov.u32 @p2 s3;
	p2 =	sne.s32 s12, s9  }
.Ltmp1:
0x1c: {  	p1 =	slt.u32 s12, $0x2;
	(pc) =	sbr.rel @!p2 .LBB2_6-.Ltmp1, $4  }
0x1d: {  	s14 =	simm.s32 @!p1 $0x3  }
0x1e: {  	s16 =	sadd.s32 $0x1, s12;
	_ =	swait.ge @!p1 [sflag:s14], $0x80  }
0x1f: {  	s13 =	smov.u32 s11;
	p0 =	por !p0, !p0;
	[sflag:s14] =	ssyncset.done @!p1 $0x0  }
0x20: {  	s12 =	smov.u32 s16;
	s11 =	smov.u32 s15;
	[sflag:s14] =	ssyncadd.s32 @!p1 $0xFFFFFF80  }
.LBB2_1:
0x21: {  	p1 =	sge.u32 s12, s8  }
0x22: {  	s14 =	sxor.u32 @!p1 $0xFFFFFFFF, s12  }
0x23: {  	s31 =	sadd.s32 $0xFFFFFFFF, s12;
	s15 =	sshrl.u32 @!p1 s11, $0x3;
	s14 =	sshll.u32 @!p1 s14, $0x7  }
0x24: {  	s16 =	sand.u32 @!p1 $0x7, s11;
	s15 =	sadd.s32 @!p1 s4, s15;
	s14 =	sand.u32 @!p1 $0x80, s14  }
0x25: {  	[tilespmem:s14], [sflag:$0x2] =	stream.linear.gather @!p1 [hbm4b:s15+s16], $0x80, $0x38;
	[tilespmem:$0x200] =	vst v63  }
0x26: {  	p1 =	sge.u32 s31, s8  }
.Ltmp2:
0x27: {  	_ = 	snop;
	(pc) =	sbr.rel @p1 .LBB2_5-.Ltmp2, $1  }
0x28: {  	_ =	sdelay $0x3  }
0x29: {  	s14 =	simm.s32 $0x1  }
0x2a: {  	_ =	swait.ge [sflag:s7], $0x80;
	s14 =	simm.s32 @!p0 $0x0  }
0x2b: {  	[sflag:s7] =	ssyncset.done $0x0;
	s14 =	sshll.u32 s14, $0x7  }
0x2c: {  	[sflag:s7] =	ssyncadd.s32 $0xFFFFFF80;
	(ifvalue) =	ssetifvalue $0x7FFFFFFF;
	v0 =	vld.msk [tilespmem:s14+$0x0 ss:$0x1], $0xffff;
	_ =	sdelay $0x4  }
0x2d: {  	s15 =	sadd.s32 $0x10, s14;
	vm1 =	vgt.s32 v0, $0x0  }
0x2e: {  	v2 =	vld.msk [tilespmem:s15+$0x0 ss:$0x1], $0xffff;
	v1 =	vnsel vm1, $0x0, v0  }
0x2f: {  	v1 =	vmin.u32 v1, $0x1FFF;
	_ =	sdelay $0x1  }
0x30: {  	s16 =	sshll.u32 s12, $0x7;
	s18 =	simm.s32 $0x20  }
0x31: {  	s16 =	sand.u32 $0x80, s16;
	s17 =	sadd.s32 $0x10, s15;
	s15 =	sor.u32 $0x100, s14  }
0x32: {  	s14 =	sor.u32 $0x100, s16;
	s16 =	sadd.s32 $0x10, s15;
	v0 =	vld.msk [tilespmem:s17+$0x0 ss:$0x1], $0xffff;
	vm1 =	vgt.s32 v2, $0x0;
	(ifvalue) =	ssetifvalue $0x7FFFFFFF  }
.LBB2_3:
0x33: {  	[tilespmem:s15], [sflag:$0x1] =	stream.indirect_vreg.gather [hbm4b:s2+s10], $0x1, v1, vm0, $0x4038;
	[tilespmem:$0x200] =	vst v63  }
0x34: {  	s18 =	sadd.s32 $0x10, s18  }
0x35: {  	v2 =	vnsel vm1, $0x0, v2;
	p1 =	slt.u32 s18, $0x70  }
.Ltmp3:
0x36: {  	s15 =	smov.u32 s16;
	v1 =	vmin.u32 v2, $0x1FFF;
	(pc) =	sbr.rel @p1 .LBB2_3-.Ltmp3, $3  }
0x37: {  	_ =	sdelay $0x1  }
0x38: {  	s17 =	sadd.s32 $0x10, s17  }
0x39: {  	vm1 =	vgt.s32 v0, $0x0;
	s16 =	sadd.s32 $0x10, s16;
	v2 =	vmov v0;
	(ifvalue) =	ssetifvalue $0x7FFFFFFF;
	v0 =	vld.msk [tilespmem:s17+$0x0 ss:$0x1], $0xffff  }
.Ltmp4:
0x3a: {  	_ = 	snop;
	(pc) =	sbr.rel .LBB2_4-.Ltmp4, $1  }
0x3b: {  	_ =	sdelay $0x3  }
.LBB2_6:
0x3c: {  	_ =	sfence.sel $0x180000  }
0x3d: {  	s2 =	simm.s32 $0x2;
	[bflag:$0x0] =	sbarrier.arrive $0xFFFF  }
0x3e: {  	s30 =	simm.s32 $0x3;
	[sflag:s2] =	ssyncpa.u1 $0x1  }
0x3f: {  	s31 =	simm.s32 $0x1;
	[sflag:s30] =	ssyncpa.u1 $0x1  }
0x40: {  	[sflag:s31] =	ssyncpa.u1 $0x1  }
0x41: {  	p0 =	sne.s32 s0, $0x0;
	_ =	strace $0x90000047  }
0x42: {  	s0 =	sadd.s32 @!p0 $0x100000, s1;
	[bflag:$0x2] =	sbarrier.arrive $0xFFFF  }
0x43: {  	[sflag:s0] =	ssyncadd.tile.s32 @!p0 $0x1;
	_ =	shalt  }
.Lfunc_end2:
_tile_overlayer_lowered:
.L_overlay_start_2:
0x44: {  	(tag) =	ssettag $0x2  }
0x45: {  	s0 =	rddreg [dreg:$0x0];
	s2 =	stileid.u32  }
0x46: {  	s1 =	rddreg [dreg:$0x1];
	p0 =	sne.s32 s2, $0x0  }
0x47: {  	s3 =	rddreg [dreg:$0x2];
	[bflag:$0x3] =	sbarrier.arrive $0xFFFF;
	s2 =	simm.s32 @!p0 $0x1C01  }
0x48: {  	[timem:s3], [sflag:s2] =	dma.local @!p0 [hbm:s0], s1  }
0x49: {  	s0 =	simm.s32 @!p0 $0x1  }
0x4a: {  	_ =	swait.ge @!p0 [sflag:s0], s1  }
0x4b: {  	s1 =	ssub.s32 @!p0 $0x0, s1;
	[sflag:s0] =	ssyncset.done @!p0 $0x0  }
0x4c: {  	[sflag:s0] =	ssyncadd.s32 @!p0 s1  }
0x4d: {  	[bflag:$0x3] =	sbarrier.arrive $0xFFFF  }
0x4e: {  	_ =	shalt  }

// kernel: gather_offload_async_start.2
scs
__scs_entry_jumppad:
0x0: {  	(pc) =	sbr.rel $0x88, $3  }
0x1: {  	(tag) =	ssettag $0x0;
	lr =	simm.s32 $0x1  }
0x2: {  	[smem:$0x3F9A] =	sst lr;
	_ =	strace $0xD0000000  }
0x3: {  	_ = 	snop  }
0x4: {  	_ = 	snop  }
0x5: {  	_ = 	snop  }
0x6: {  	_ = 	snop  }
0x7: {  	_ = 	snop  }
__scs_overlays_trampoline_lowered:
0x8: {  	[smem:$0x3FA9] =	sst s0  }
0x9: {  	[smem:$0x3FAA] =	sst s1  }
0xa: {  	[smem:$0x3FAB] =	sst s2  }
0xb: {  	[smem:$0x3FAC] =	sst s3  }
0xc: {  	[smem:$0x3FAD] =	sst s4  }
0xd: {  	[smem:$0x3FAE] =	sst s5  }
0xe: {  	[smem:$0x3FAF] =	sst s6  }
0xf: {  	[smem:$0x3FB0] =	sst s7  }
0x10: {  	[smem:$0x3FB1] =	sst s8  }
0x11: {  	[smem:$0x3FB2] =	sst s9;
	s0 =	simm.s32 @!p0 $0x0  }
0x12: {  	s1 =	sld [smem:$0x3F98];
	s0 =	simm.s32 @p0 $0x1  }
0x13: {  	[smem:$0x3FB3] =	sst s0;
	s0 =	simm.s32 @!p1 $0x0  }
0x14: {  	s2 =	sld [smem:$0x3F97];
	s0 =	simm.s32 @p1 $0x1  }
0x15: {  	[smem:$0x3FB4] =	sst s0;
	s0 =	simm.s32 @!p2 $0x0  }
0x16: {  	s3 =	sld [smem:$0x3FDB];
	s0 =	simm.s32 @p2 $0x1  }
0x17: {  	s4 =	simm.s32 $0x1BF5;
	[smem:$0x3FB6] =	sst s0  }
0x18: {  	s0 =	sld [smem:$0x3F99];
	_ =	swait.ge [sflag:s4], $0x0  }
0x19: {  	s7 =	sld [smem:$0x3F9A]  }
0x1a: {  	s8 =	sadd.s32 $0xFFFFE003, lr  }
0x1b: {  	s9 =	sadd.s32 $0xFFFFFEF7, lr;
	s5 =	simm.s32 $0xFFFFFFFF;
	p2 =	slt.u32 s8, $0xFFFFF086  }
0x1c: {  	p1 =	slt.u32 s9, $0xF7A;
	s5 =	simm.s32 @!p2 $0x0  }
0x1d: {  	s5 =	simm.s32 @p1 $0x1;
	p0 =	seq.s32 s7, s2  }
0x1e: {  	s7 =	smul.u32 @!p0 $0xF7A, s2;
	p2 =	seq.s32 @!p0 s5, $0x0  }
0x1f: {  	s9 =	smul.u32 $0xF7A, s1;
	s8 =	simm.s32 @!p0 $0x1BF5;
	p2 =	por !p2, p0  }
0x20: {  	[sflag:s8] =	ssyncset.s32 @!p0 $0xFFFFF086;
	s6 =	sadd.s32 @!p0 s3, s7;
	s7 =	simm.s32 @!p0 $0x108  }
0x21: {  	s3 =	sadd.s32 s3, s9;
	s6 =	sadd.s32 @!p0 $0x88, s6;
	s7 =	simm.s32 @p2 $0x1082  }
0x22: {  	[simem:s7], [sflag:s8] =	dma.local @!p0 [hbm:s6], $0xF7A  }
0x23: {  	s9 =	sor.u32 $0xD0000000, s2;
	s6 =	simm.s32 $0x108;
	_ =	swait.ge @!p0 [sflag:s8], $0x0  }
0x24: {  	s3 =	sadd.s32 $0x88, s3;
	s6 =	simm.s32 @!p1 $0x1082;
	[sflag:s4] =	ssyncset.s32 $0xFFFFF086  }
0x25: {  	[simem:s6], [sflag:s4] =	dma.local [hbm:s3], $0xF7A  }
0x26: {  	[smem:$0x3F9A] =	sst s1;
	(tag) =	ssettag s2;
	_ =	strace s9  }
0x27: {  	s1 =	sld [smem:$0x3FAA]  }
0x28: {  	s2 =	sld [smem:$0x3FAB]  }
0x29: {  	s4 =	sld [smem:$0x3FAD]  }
0x2a: {  	p0 =	seq.s32 s5, $0x0;
	s5 =	sld [smem:$0x3FAE]  }
0x2b: {  	s6 =	sld [smem:$0x3FAF]  }
0x2c: {  	s7 =	sld [smem:$0x3FB0]  }
0x2d: {  	s3 =	simm.s32 $0x108;
	s8 =	sld [smem:$0x3FB1]  }
0x2e: {  	s3 =	simm.s32 @!p0 $0x1082;
	s9 =	sld [smem:$0x3FB2]  }
0x2f: {  	lr =	sadd.s32 s0, s3;
	s0 =	sld [smem:$0x3FA9]  }
0x30: {  	s3 =	sld [smem:$0x3FAC]  }
0x31: {  	[smem:$0x3FB5] =	sst s10  }
0x32: {  	s10 =	sld [smem:$0x3FB3];
	_ =	sdelay $0x3  }
0x33: {  	p0 =	seq.s32 s10, $0x1;
	s10 =	sld [smem:$0x3FB5];
	_ =	sdelay $0x3  }
0x34: {  	[smem:$0x3FB5] =	sst s10  }
0x35: {  	s10 =	sld [smem:$0x3FB4];
	_ =	sdelay $0x3  }
0x36: {  	p1 =	seq.s32 s10, $0x1;
	s10 =	sld [smem:$0x3FB5];
	_ =	sdelay $0x3  }
0x37: {  	[smem:$0x3FB5] =	sst s10  }
0x38: {  	s10 =	sld [smem:$0x3FB6]  }
0x39: {  	_ = 	snop;
	(pc) =	sbr.ind lr, $3  }
0x3a: {  	_ = 	snop  }
0x3b: {  	_ = 	snop  }
0x3c: {  	p2 =	seq.s32 s10, $0x1;
	s10 =	sld [smem:$0x3FB5]  }
0x3d: {  	_ =	shalt  }
0x3e: {  	_ =	shalt  }
0x3f: {  	_ =	shalt  }
0x40: {  	_ =	shalt  }
0x41: {  	_ =	shalt  }
0x42: {  	_ =	shalt  }
0x43: {  	_ =	shalt  }
0x44: {  	_ =	shalt  }
0x45: {  	_ =	shalt  }
0x46: {  	_ =	shalt  }
0x47: {  	_ =	shalt  }
0x48: {  	_ =	shalt  }
0x49: {  	_ =	shalt  }
0x4a: {  	_ =	shalt  }
0x4b: {  	_ =	shalt  }
0x4c: {  	_ =	shalt  }
0x4d: {  	_ =	shalt  }
0x4e: {  	_ =	shalt  }
0x4f: {  	_ =	shalt  }
0x50: {  	_ =	shalt  }
0x51: {  	_ =	shalt  }
0x52: {  	_ =	shalt  }
0x53: {  	_ =	shalt  }
0x54: {  	_ =	shalt  }
0x55: {  	_ =	shalt  }
0x56: {  	_ =	shalt  }
0x57: {  	_ =	shalt  }
0x58: {  	_ =	shalt  }
0x59: {  	_ =	shalt  }
0x5a: {  	_ =	shalt  }
0x5b: {  	_ =	shalt  }
0x5c: {  	_ =	shalt  }
0x5d: {  	_ =	shalt  }
0x5e: {  	_ =	shalt  }
0x5f: {  	_ =	shalt  }
0x60: {  	_ =	shalt  }
0x61: {  	_ =	shalt  }
0x62: {  	_ =	shalt  }
0x63: {  	_ =	shalt  }
0x64: {  	_ =	shalt  }
0x65: {  	_ =	shalt  }
0x66: {  	_ =	shalt  }
0x67: {  	_ =	shalt  }
0x68: {  	_ =	shalt  }
0x69: {  	_ =	shalt  }
0x6a: {  	_ =	shalt  }
0x6b: {  	_ =	shalt  }
0x6c: {  	_ =	shalt  }
0x6d: {  	_ =	shalt  }
0x6e: {  	_ =	shalt  }
0x6f: {  	_ =	shalt  }
0x70: {  	_ =	shalt  }
0x71: {  	_ =	shalt  }
0x72: {  	_ =	shalt  }
0x73: {  	_ =	shalt  }
0x74: {  	_ =	shalt  }
0x75: {  	_ =	shalt  }
0x76: {  	_ =	shalt  }
0x77: {  	_ =	shalt  }
0x78: {  	_ =	shalt  }
0x79: {  	_ =	shalt  }
0x7a: {  	_ =	shalt  }
0x7b: {  	_ =	shalt  }
0x7c: {  	_ =	shalt  }
0x7d: {  	_ =	shalt  }
0x7e: {  	_ =	shalt  }
0x7f: {  	_ =	shalt  }
0x80: {  	_ =	shalt  }
0x81: {  	_ =	shalt  }
0x82: {  	_ =	shalt  }
0x83: {  	_ =	shalt  }
0x84: {  	_ =	shalt  }
0x85: {  	_ =	shalt  }
0x86: {  	_ =	shalt  }
0x87: {  	_ =	shalt  }
.Lfunc_end0:
.L_simem_size_0:
called_computation.2_lowered:
.L_overlay_start_0:
0x88: {  	s2 =	sld [smem:$0x3FD9]  }
0x89: {  	s3 =	sld [smem:$0x3FFE];
	_ =	sdelay $0x1  }
0x8a: {  	s1 =	srdreg.scid  }
0x8b: {  	s0 =	sand.u32 $0x1, s1  }
0x8c: {  	s17 =	sshll.u32 s0, $0xA;
	s2 =	sadd.s32 s3, s2  }
0x8d: {  	s2 =	sadd.s32 s2, s17  }
0x8e: {  	[smem:$0x3FC1] =	sst s2  }
0x8f: {  	_ = 	snop  }
0x90: {  	s2 =	sld [smem:$0x3FC4];
	(tm) =	ssettm $0x1  }
0x91: {  	s18 =	sld [smem:$0x3FFB];
	_ =	sdelay $0x3  }
0x92: {  	_ =	strace s18  }
0x93: {  	s3 =	sld [smem:$0x3FFC];
	_ =	sdelay $0x3  }
0x94: {  	_ =	strace s3  }
0x95: {  	s3 =	sld [smem:$0x3FFD];
	_ =	sdelay $0x3  }
0x96: {  	_ =	strace s3  }
0x97: {  	_ =	strace $0x8FFFFFFF  }
0x98: {  	s19 =	sld [smem:$0x3FDB];
	_ =	sdelay $0x1  }
0x99: {  	s4 =	simm.s32 $_scs_section_size  }
0x9a: {  	s5 =	simm.s32 $_size__tile_overlayer_lowered;
	s6 =	simm.s32 $_tile_overlayer_lowered  }
0x9b: {  	s22 =	simm.s32 $0x1BFF;
	s21 =	sshll.u32 s6, $0x1;
	s3 =	sadd.s32 s4, s19  }
0x9c: {  	s7 =	simm.s32 $0x0;
	s20 =	sshll.u32 s5, $0x1;
	s5 =	sadd.s32 s21, s3  }
0x9d: {  	[timem:s7], [sflag:s22] =	dma.local [hbm:s5], s20  }
0x9e: {  	_ =	swait.ge [sflag:s22], s20  }
0x9f: {  	s4 =	ssub.s32 $0x0, s20;
	[sflag:s22] =	ssyncset.done $0x0  }
0xa0: {  	[sflag:s22] =	ssyncadd.s32 s4;
	_ =	sdelay $0x1  }
0xa1: {  	s23 =	simm.s32 $0x1B8B  }
0xa2: {  	_ =	swait.ge [sflag:s23], $0x1  }
0xa3: {  	[sflag:s23] =	ssyncset.done $0x0  }
0xa4: {  	s25 =	simm.s32 $0x1B8E;
	s24 =	sld [smem:$0x3FFE];
	[sflag:s23] =	ssyncadd.s32 $0xFFFFFFFF  }
0xa5: {  	s26 =	simm.s32 $execute0_lowered;
	[smem:$0x3FD2] =	sst s25  }
0xa6: {  	s5 =	sshll.u32 s26, $0x1;
	_ =	strace $0x8000004C;
	[dreg:$0x1] =	wrdreg $0xFFFFFFFF  }
0xa7: {  	s28 =	simm.s32 $_size_execute0_lowered;
	s3 =	sadd.s32 s3, s5;
	[dreg:$0x0] =	wrdreg $0x0  }
0xa8: {  	s5 =	sshll.u32 s28, $0x1;
	[dreg:$0x2] =	wrdreg s3  }
0xa9: {  	[dreg:$0x3] =	wrdreg s5  }
0xaa: {  	[dreg:$0x4] =	wrdreg $0xC0  }
0xab: {  	_ =	task [dreg:s7], $0x5FFFF  }
0xac: {  	[dreg:$0x1] =	wrdreg $0xFFFFFFFF  }
0xad: {  	[dreg:$0x0] =	wrdreg $0x60  }
0xae: {  	[dreg:$0x2] =	wrdreg s2  }
0xaf: {  	[dreg:$0x3] =	wrdreg s24  }
0xb0: {  	[dreg:$0x4] =	wrdreg $0x9  }
0xb1: {  	_ =	task.clear_ibuf [dreg:s7], $0x5FFFF;
	_ =	strace $0x9000004C  }
0xb2: {  	s29 =	simm.s32 $0x9;
	_ =	strace $0x8000004E  }
0xb3: {  	_ =	swait.ge [sflag:s29], $0x1  }
0xb4: {  	[sflag:s29] =	ssyncadd.s32 $0xFFFFFFFF  }
0xb5: {  	_ =	strace $0x9000004E  }
0xb6: {  	_ =	sfence  }
0xb7: {  	s30 =	sld [smem:$0x0];
	_ =	sdelay $0x2  }
0xb8: {  	s31 =	sshll.u32 s1, $0xD;
	s1 =	sshrl.u32 s1, $0x2  }
0xb9: {  	s3 =	sand.u32 $0x4000, s31;
	s1 =	sadd.s32 s1, s30  }
0xba: {  	s0 =	sor.u32 s3, s0;
	s1 =	sshll.u32 s1, $0x11  }
0xbb: {  	s0 =	sor.u32 s1, s0  }
0xbc: {  	s0 =	sadd.s32 $0x8F2B, s0  }
0xbd: {  	[sflag:s0] =	ssyncadd.remote.s32 $0x1  }
0xbe: {  	_ =	sfence.sel $0xFFFF  }
0xbf: {  	[dreg:$0x0] =	wrdreg $0xFFFFFFFF;
	(pc) =	sbr.abs _section_cstart, $3  }
0xc0: {  	[dreg:$0x1] =	wrdreg $0xFFFFFFFF  }
0xc1: {  	_ =	task.clear_ibuf [dreg:s7], $0x2FFFF;
	_ =	strace $0x9FFFFFFF  }
0xc2: {  	(tm) =	ssettm $0x7FFFFFFF  }
0xc3: {  	_ =	shalt  }
tec
execute0_lowered:
.L_overlay_start_1:
0x0: {  	(tag) =	ssettag $0x1  }
0x1: {  	s1 =	srdreg.scid;
	s2 =	rddreg [dreg:$0x0]  }
0x2: {  	s0 =	stileid.u32;
	s3 =	rddreg [dreg:$0x1]  }
0x3: {  	s6 =	simm.s32 $0x1;
	s9 =	simm.s32 $0x1;
	s1 =	sshll.u32 s1, $0x7  }
0x4: {  	s10 =	simm.s32 $0x3;
	s4 =	sshll.u32 s0, $0x8;
	s5 =	sand.u32 $0x80, s1  }
0x5: {  	s13 =	simm.s32 $0x0;
	s12 =	simm.s32 $0x0;
	s4 =	sor.u32 s4, s5  }
0x6: {  	s1 =	rddreg [dreg:$0x2];
	_ =	strace $0x8000004D;
	s8 =	ssub.s32 $0x2000, s4  }
.Ltmp0:
0x7: {  	s5 =	sadd.s32 $0x100000, s3;
	s7 =	sand.u32 $0xF80, s8;
	(pc) =	sbr.rel .LBB2_1-.Ltmp0, $4  }
0x8: {  	[sflag:s6] =	ssyncpa.u1 $0x0;
	s11 =	smov.u32 s4;
	p0 =	sne.s32 s7, $0x0  }
0x9: {  	s8 =	sshrl.u32 s8, $0xC;
	s7 =	simm.s32 $0x2;
	s9 =	simm.s32 @!p0 $0x0  }
0xa: {  	[sflag:s7] =	ssyncpa.u1 $0x0;
	p0 =	por $0x0, $0x0;
	s8 =	sadd.s32 s9, s8  }
0xb: {  	vm0 =	vmmov $0xffff;
	[sflag:s10] =	ssyncpa.u1 $0x0;
	s10 =	simm.s32 $0x0;
	s9 =	sadd.s32 $0x1, s8  }
.LBB2_4:
0xc: {  	v2 =	vnsel vm1, $0x0, v2  }
0xd: {  	vm1 =	vgt.s32 v0, $0x0;
	v2 =	vmin.u32 v2, $0x1FFF  }
0xe: {  	v0 =	vnsel vm1, $0x0, v0  }
0xf: {  	v0 =	vmin.u32 v0, $0x1FFF  }
0x10: {  	[tilespmem:s15], [sflag:$0x1] =	stream.indirect_vreg.gather [hbm4b:s2+s10], $0x1, v1, vm0, $0x4038;
	[tilespmem:$0x200] =	vst v63  }
0x11: {  	(ifvalue) =	ssetifvalue $0x7FFFFFFF  }
0x12: {  	[tilespmem:s16], [sflag:$0x1] =	stream.indirect_vreg.gather [hbm4b:s2+s10], $0x1, v2, vm0, $0x4038;
	[tilespmem:$0x200] =	vst v63  }
0x13: {  	s29 =	sadd.s32 $0x10, s16;
	(ifvalue) =	ssetifvalue $0x7FFFFFFF  }
0x14: {  	[tilespmem:s29], [sflag:$0x1] =	stream.indirect_vreg.gather [hbm4b:s2+s10], $0x1, v0, vm0, $0x4038;
	[tilespmem:$0x200] =	vst v63  }
0x15: {  	_ =	swait.ge [sflag:s6], $0x80  }
0x16: {  	s30 =	sshrl.u32 s13, $0x3;
	[sflag:s6] =	ssyncset.done $0x0  }
0x17: {  	s31 =	sand.u32 $0x7, s13;
	s15 =	sadd.s32 s3, s30;
	[sflag:s6] =	ssyncadd.s32 $0xFFFFFF80  }
0x18: {  	[hbm4b:s15+s31] =	stream.linear.scatter [tilespmem:s14], [sflag:$0x3], $0x80, $0x38;
	[tilespmem:$0x200] =	vst v63  }
.LBB2_5:
0x19: {  	s15 =	sadd.s32 $0x1000, s11  }
0x1a: {  	p2 =	sgt.s32 s15, $0x1FFF  }
0x1b: {  	s15 =	smov.u32 @p2 s4;
	p2 =	sne.s32 s12, s9  }
.Ltmp1:
0x1c: {  	p1 =	slt.u32 s12, $0x2;
	(pc) =	sbr.rel @!p2 .LBB2_6-.Ltmp1, $4  }
0x1d: {  	s14 =	simm.s32 @!p1 $0x3  }
0x1e: {  	s16 =	sadd.s32 $0x1, s12;
	_ =	swait.ge @!p1 [sflag:s14], $0x80  }
0x1f: {  	s13 =	smov.u32 s11;
	p0 =	por !p0, !p0;
	[sflag:s14] =	ssyncset.done @!p1 $0x0  }
0x20: {  	s12 =	smov.u32 s16;
	s11 =	smov.u32 s15;
	[sflag:s14] =	ssyncadd.s32 @!p1 $0xFFFFFF80  }
.LBB2_1:
0x21: {  	p1 =	sge.u32 s12, s8  }
0x22: {  	s14 =	sxor.u32 @!p1 $0xFFFFFFFF, s12  }
0x23: {  	s31 =	sadd.s32 $0xFFFFFFFF, s12;
	s15 =	sshrl.u32 @!p1 s11, $0x3;
	s14 =	sshll.u32 @!p1 s14, $0x7  }
0x24: {  	s16 =	sand.u32 @!p1 $0x7, s11;
	s15 =	sadd.s32 @!p1 s5, s15;
	s14 =	sand.u32 @!p1 $0x80, s14  }
0x25: {  	[tilespmem:s14], [sflag:$0x2] =	stream.linear.gather @!p1 [hbm4b:s15+s16], $0x80, $0x38;
	[tilespmem:$0x200] =	vst v63  }
0x26: {  	p1 =	sge.u32 s31, s8  }
.Ltmp2:
0x27: {  	_ = 	snop;
	(pc) =	sbr.rel @p1 .LBB2_5-.Ltmp2, $1  }
0x28: {  	_ =	sdelay $0x3  }
0x29: {  	s14 =	simm.s32 $0x1  }
0x2a: {  	_ =	swait.ge [sflag:s7], $0x80;
	s14 =	simm.s32 @!p0 $0x0  }
0x2b: {  	[sflag:s7] =	ssyncset.done $0x0;
	s14 =	sshll.u32 s14, $0x7  }
0x2c: {  	[sflag:s7] =	ssyncadd.s32 $0xFFFFFF80;
	(ifvalue) =	ssetifvalue $0x7FFFFFFF;
	v0 =	vld.msk [tilespmem:s14+$0x0 ss:$0x1], $0xffff;
	_ =	sdelay $0x4  }
0x2d: {  	s15 =	sadd.s32 $0x10, s14;
	vm1 =	vgt.s32 v0, $0x0  }
0x2e: {  	v2 =	vld.msk [tilespmem:s15+$0x0 ss:$0x1], $0xffff;
	v1 =	vnsel vm1, $0x0, v0  }
0x2f: {  	v1 =	vmin.u32 v1, $0x1FFF;
	_ =	sdelay $0x1  }
0x30: {  	s16 =	sshll.u32 s12, $0x7;
	s18 =	simm.s32 $0x20  }
0x31: {  	s16 =	sand.u32 $0x80, s16;
	s17 =	sadd.s32 $0x10, s15;
	s15 =	sor.u32 $0x100, s14  }
0x32: {  	s14 =	sor.u32 $0x100, s16;
	s16 =	sadd.s32 $0x10, s15;
	v0 =	vld.msk [tilespmem:s17+$0x0 ss:$0x1], $0xffff;
	vm1 =	vgt.s32 v2, $0x0;
	(ifvalue) =	ssetifvalue $0x7FFFFFFF  }
.LBB2_3:
0x33: {  	[tilespmem:s15], [sflag:$0x1] =	stream.indirect_vreg.gather [hbm4b:s2+s10], $0x1, v1, vm0, $0x4038;
	[tilespmem:$0x200] =	vst v63  }
0x34: {  	s18 =	sadd.s32 $0x10, s18  }
0x35: {  	v2 =	vnsel vm1, $0x0, v2;
	p1 =	slt.u32 s18, $0x70  }
.Ltmp3:
0x36: {  	s15 =	smov.u32 s16;
	v1 =	vmin.u32 v2, $0x1FFF;
	(pc) =	sbr.rel @p1 .LBB2_3-.Ltmp3, $3  }
0x37: {  	_ =	sdelay $0x1  }
0x38: {  	s17 =	sadd.s32 $0x10, s17  }
0x39: {  	vm1 =	vgt.s32 v0, $0x0;
	s16 =	sadd.s32 $0x10, s16;
	v2 =	vmov v0;
	(ifvalue) =	ssetifvalue $0x7FFFFFFF;
	v0 =	vld.msk [tilespmem:s17+$0x0 ss:$0x1], $0xffff  }
.Ltmp4:
0x3a: {  	_ = 	snop;
	(pc) =	sbr.rel .LBB2_4-.Ltmp4, $1  }
0x3b: {  	_ =	sdelay $0x3  }
.LBB2_6:
0x3c: {  	_ =	sfence.sel $0x180000  }
0x3d: {  	s2 =	simm.s32 $0x2;
	[bflag:$0x0] =	sbarrier.arrive $0xFFFF  }
0x3e: {  	s30 =	simm.s32 $0x3;
	[sflag:s2] =	ssyncpa.u1 $0x1  }
0x3f: {  	s31 =	simm.s32 $0x1;
	[sflag:s30] =	ssyncpa.u1 $0x1  }
0x40: {  	[sflag:s31] =	ssyncpa.u1 $0x1  }
0x41: {  	p0 =	sne.s32 s0, $0x0;
	_ =	strace $0x9000004D  }
0x42: {  	s0 =	sadd.s32 @!p0 $0x100000, s1;
	[bflag:$0x2] =	sbarrier.arrive $0xFFFF  }
0x43: {  	[sflag:s0] =	ssyncadd.tile.s32 @!p0 $0x1;
	_ =	shalt  }
.Lfunc_end2:
_tile_overlayer_lowered:
.L_overlay_start_2:
0x44: {  	(tag) =	ssettag $0x2  }
0x45: {  	s0 =	rddreg [dreg:$0x0];
	s2 =	stileid.u32  }
0x46: {  	s1 =	rddreg [dreg:$0x1];
	p0 =	sne.s32 s2, $0x0  }
0x47: {  	s3 =	rddreg [dreg:$0x2];
	[bflag:$0x3] =	sbarrier.arrive $0xFFFF;
	s2 =	simm.s32 @!p0 $0x1C01  }
0x48: {  	[timem:s3], [sflag:s2] =	dma.local @!p0 [hbm:s0], s1  }
0x49: {  	s0 =	simm.s32 @!p0 $0x1  }
0x4a: {  	_ =	swait.ge @!p0 [sflag:s0], s1  }
0x4b: {  	s1 =	ssub.s32 @!p0 $0x0, s1;
	[sflag:s0] =	ssyncset.done @!p0 $0x0  }
0x4c: {  	[sflag:s0] =	ssyncadd.s32 @!p0 s1  }
0x4d: {  	[bflag:$0x3] =	sbarrier.arrive $0xFFFF  }
0x4e: {  	_ =	shalt  }

// kernel: gather_offload_async_start.3
scs
__scs_entry_jumppad:
0x0: {  	(pc) =	sbr.rel $0x88, $3  }
0x1: {  	(tag) =	ssettag $0x0;
	lr =	simm.s32 $0x1  }
0x2: {  	[smem:$0x3F9A] =	sst lr;
	_ =	strace $0xD0000000  }
0x3: {  	_ = 	snop  }
0x4: {  	_ = 	snop  }
0x5: {  	_ = 	snop  }
0x6: {  	_ = 	snop  }
0x7: {  	_ = 	snop  }
__scs_overlays_trampoline_lowered:
0x8: {  	[smem:$0x3FA9] =	sst s0  }
0x9: {  	[smem:$0x3FAA] =	sst s1  }
0xa: {  	[smem:$0x3FAB] =	sst s2  }
0xb: {  	[smem:$0x3FAC] =	sst s3  }
0xc: {  	[smem:$0x3FAD] =	sst s4  }
0xd: {  	[smem:$0x3FAE] =	sst s5  }
0xe: {  	[smem:$0x3FAF] =	sst s6  }
0xf: {  	[smem:$0x3FB0] =	sst s7  }
0x10: {  	[smem:$0x3FB1] =	sst s8  }
0x11: {  	[smem:$0x3FB2] =	sst s9;
	s0 =	simm.s32 @!p0 $0x0  }
0x12: {  	s1 =	sld [smem:$0x3F98];
	s0 =	simm.s32 @p0 $0x1  }
0x13: {  	[smem:$0x3FB3] =	sst s0;
	s0 =	simm.s32 @!p1 $0x0  }
0x14: {  	s2 =	sld [smem:$0x3F97];
	s0 =	simm.s32 @p1 $0x1  }
0x15: {  	[smem:$0x3FB4] =	sst s0;
	s0 =	simm.s32 @!p2 $0x0  }
0x16: {  	s3 =	sld [smem:$0x3FDB];
	s0 =	simm.s32 @p2 $0x1  }
0x17: {  	s4 =	simm.s32 $0x1BF5;
	[smem:$0x3FB6] =	sst s0  }
0x18: {  	s0 =	sld [smem:$0x3F99];
	_ =	swait.ge [sflag:s4], $0x0  }
0x19: {  	s7 =	sld [smem:$0x3F9A]  }
0x1a: {  	s8 =	sadd.s32 $0xFFFFE003, lr  }
0x1b: {  	s9 =	sadd.s32 $0xFFFFFEF7, lr;
	s5 =	simm.s32 $0xFFFFFFFF;
	p2 =	slt.u32 s8, $0xFFFFF086  }
0x1c: {  	p1 =	slt.u32 s9, $0xF7A;
	s5 =	simm.s32 @!p2 $0x0  }
0x1d: {  	s5 =	simm.s32 @p1 $0x1;
	p0 =	seq.s32 s7, s2  }
0x1e: {  	s7 =	smul.u32 @!p0 $0xF7A, s2;
	p2 =	seq.s32 @!p0 s5, $0x0  }
0x1f: {  	s9 =	smul.u32 $0xF7A, s1;
	s8 =	simm.s32 @!p0 $0x1BF5;
	p2 =	por !p2, p0  }
0x20: {  	[sflag:s8] =	ssyncset.s32 @!p0 $0xFFFFF086;
	s6 =	sadd.s32 @!p0 s3, s7;
	s7 =	simm.s32 @!p0 $0x108  }
0x21: {  	s3 =	sadd.s32 s3, s9;
	s6 =	sadd.s32 @!p0 $0x88, s6;
	s7 =	simm.s32 @p2 $0x1082  }
0x22: {  	[simem:s7], [sflag:s8] =	dma.local @!p0 [hbm:s6], $0xF7A  }
0x23: {  	s9 =	sor.u32 $0xD0000000, s2;
	s6 =	simm.s32 $0x108;
	_ =	swait.ge @!p0 [sflag:s8], $0x0  }
0x24: {  	s3 =	sadd.s32 $0x88, s3;
	s6 =	simm.s32 @!p1 $0x1082;
	[sflag:s4] =	ssyncset.s32 $0xFFFFF086  }
0x25: {  	[simem:s6], [sflag:s4] =	dma.local [hbm:s3], $0xF7A  }
0x26: {  	[smem:$0x3F9A] =	sst s1;
	(tag) =	ssettag s2;
	_ =	strace s9  }
0x27: {  	s1 =	sld [smem:$0x3FAA]  }
0x28: {  	s2 =	sld [smem:$0x3FAB]  }
0x29: {  	s4 =	sld [smem:$0x3FAD]  }
0x2a: {  	p0 =	seq.s32 s5, $0x0;
	s5 =	sld [smem:$0x3FAE]  }
0x2b: {  	s6 =	sld [smem:$0x3FAF]  }
0x2c: {  	s7 =	sld [smem:$0x3FB0]  }
0x2d: {  	s3 =	simm.s32 $0x108;
	s8 =	sld [smem:$0x3FB1]  }
0x2e: {  	s3 =	simm.s32 @!p0 $0x1082;
	s9 =	sld [smem:$0x3FB2]  }
0x2f: {  	lr =	sadd.s32 s0, s3;
	s0 =	sld [smem:$0x3FA9]  }
0x30: {  	s3 =	sld [smem:$0x3FAC]  }
0x31: {  	[smem:$0x3FB5] =	sst s10  }
0x32: {  	s10 =	sld [smem:$0x3FB3];
	_ =	sdelay $0x3  }
0x33: {  	p0 =	seq.s32 s10, $0x1;
	s10 =	sld [smem:$0x3FB5];
	_ =	sdelay $0x3  }
0x34: {  	[smem:$0x3FB5] =	sst s10  }
0x35: {  	s10 =	sld [smem:$0x3FB4];
	_ =	sdelay $0x3  }
0x36: {  	p1 =	seq.s32 s10, $0x1;
	s10 =	sld [smem:$0x3FB5];
	_ =	sdelay $0x3  }
0x37: {  	[smem:$0x3FB5] =	sst s10  }
0x38: {  	s10 =	sld [smem:$0x3FB6]  }
0x39: {  	_ = 	snop;
	(pc) =	sbr.ind lr, $3  }
0x3a: {  	_ = 	snop  }
0x3b: {  	_ = 	snop  }
0x3c: {  	p2 =	seq.s32 s10, $0x1;
	s10 =	sld [smem:$0x3FB5]  }
0x3d: {  	_ =	shalt  }
0x3e: {  	_ =	shalt  }
0x3f: {  	_ =	shalt  }
0x40: {  	_ =	shalt  }
0x41: {  	_ =	shalt  }
0x42: {  	_ =	shalt  }
0x43: {  	_ =	shalt  }
0x44: {  	_ =	shalt  }
0x45: {  	_ =	shalt  }
0x46: {  	_ =	shalt  }
0x47: {  	_ =	shalt  }
0x48: {  	_ =	shalt  }
0x49: {  	_ =	shalt  }
0x4a: {  	_ =	shalt  }
0x4b: {  	_ =	shalt  }
0x4c: {  	_ =	shalt  }
0x4d: {  	_ =	shalt  }
0x4e: {  	_ =	shalt  }
0x4f: {  	_ =	shalt  }
0x50: {  	_ =	shalt  }
0x51: {  	_ =	shalt  }
0x52: {  	_ =	shalt  }
0x53: {  	_ =	shalt  }
0x54: {  	_ =	shalt  }
0x55: {  	_ =	shalt  }
0x56: {  	_ =	shalt  }
0x57: {  	_ =	shalt  }
0x58: {  	_ =	shalt  }
0x59: {  	_ =	shalt  }
0x5a: {  	_ =	shalt  }
0x5b: {  	_ =	shalt  }
0x5c: {  	_ =	shalt  }
0x5d: {  	_ =	shalt  }
0x5e: {  	_ =	shalt  }
0x5f: {  	_ =	shalt  }
0x60: {  	_ =	shalt  }
0x61: {  	_ =	shalt  }
0x62: {  	_ =	shalt  }
0x63: {  	_ =	shalt  }
0x64: {  	_ =	shalt  }
0x65: {  	_ =	shalt  }
0x66: {  	_ =	shalt  }
0x67: {  	_ =	shalt  }
0x68: {  	_ =	shalt  }
0x69: {  	_ =	shalt  }
0x6a: {  	_ =	shalt  }
0x6b: {  	_ =	shalt  }
0x6c: {  	_ =	shalt  }
0x6d: {  	_ =	shalt  }
0x6e: {  	_ =	shalt  }
0x6f: {  	_ =	shalt  }
0x70: {  	_ =	shalt  }
0x71: {  	_ =	shalt  }
0x72: {  	_ =	shalt  }
0x73: {  	_ =	shalt  }
0x74: {  	_ =	shalt  }
0x75: {  	_ =	shalt  }
0x76: {  	_ =	shalt  }
0x77: {  	_ =	shalt  }
0x78: {  	_ =	shalt  }
0x79: {  	_ =	shalt  }
0x7a: {  	_ =	shalt  }
0x7b: {  	_ =	shalt  }
0x7c: {  	_ =	shalt  }
0x7d: {  	_ =	shalt  }
0x7e: {  	_ =	shalt  }
0x7f: {  	_ =	shalt  }
0x80: {  	_ =	shalt  }
0x81: {  	_ =	shalt  }
0x82: {  	_ =	shalt  }
0x83: {  	_ =	shalt  }
0x84: {  	_ =	shalt  }
0x85: {  	_ =	shalt  }
0x86: {  	_ =	shalt  }
0x87: {  	_ =	shalt  }
.Lfunc_end0:
.L_simem_size_0:
called_computation.3_lowered:
.L_overlay_start_0:
0x88: {  	s2 =	sld [smem:$0x3FD9]  }
0x89: {  	s3 =	sld [smem:$0x3FFE];
	_ =	sdelay $0x1  }
0x8a: {  	s1 =	srdreg.scid  }
0x8b: {  	s0 =	sand.u32 $0x1, s1  }
0x8c: {  	s16 =	sshll.u32 s0, $0xA;
	s2 =	sadd.s32 s3, s2  }
0x8d: {  	s2 =	sadd.s32 s2, s16  }
0x8e: {  	[smem:$0x3FC1] =	sst s2  }
0x8f: {  	_ = 	snop  }
0x90: {  	(tm) =	ssettm $0x1  }
0x91: {  	s17 =	sld [smem:$0x3FFB];
	_ =	sdelay $0x3  }
0x92: {  	_ =	strace s17  }
0x93: {  	s2 =	sld [smem:$0x3FFC];
	_ =	sdelay $0x3  }
0x94: {  	_ =	strace s2  }
0x95: {  	s2 =	sld [smem:$0x3FFD];
	_ =	sdelay $0x3  }
0x96: {  	_ =	strace s2  }
0x97: {  	_ =	strace $0x8FFFFFFF  }
0x98: {  	s18 =	sld [smem:$0x3FDB];
	_ =	sdelay $0x1  }
0x99: {  	s19 =	simm.s32 $_scs_section_size  }
0x9a: {  	s4 =	simm.s32 $_size__tile_overlayer_lowered;
	s5 =	simm.s32 $_tile_overlayer_lowered  }
0x9b: {  	s22 =	simm.s32 $0x1BFF;
	s21 =	sshll.u32 s5, $0x1;
	s2 =	sadd.s32 s19, s18  }
0x9c: {  	s6 =	simm.s32 $0x0;
	s20 =	sshll.u32 s4, $0x1;
	s4 =	sadd.s32 s21, s2  }
0x9d: {  	[timem:s6], [sflag:s22] =	dma.local [hbm:s4], s20  }
0x9e: {  	_ =	swait.ge [sflag:s22], s20  }
0x9f: {  	s3 =	ssub.s32 $0x0, s20;
	[sflag:s22] =	ssyncset.done $0x0  }
0xa0: {  	[sflag:s22] =	ssyncadd.s32 s3;
	_ =	sdelay $0x1  }
0xa1: {  	s23 =	simm.s32 $0x1B8B  }
0xa2: {  	_ =	swait.ge [sflag:s23], $0x1  }
0xa3: {  	[sflag:s23] =	ssyncset.done $0x0  }
0xa4: {  	s25 =	simm.s32 $0x1B8E;
	s24 =	sld [smem:$0x3FFE];
	[sflag:s23] =	ssyncadd.s32 $0xFFFFFFFF  }
0xa5: {  	s26 =	simm.s32 $execute0_lowered;
	[smem:$0x3FD2] =	sst s25  }
0xa6: {  	s4 =	sshll.u32 s26, $0x1;
	_ =	strace $0x8000004F;
	[dreg:$0x1] =	wrdreg $0xFFFFFFFF  }
0xa7: {  	s28 =	simm.s32 $_size_execute0_lowered;
	s2 =	sadd.s32 s2, s4;
	[dreg:$0x0] =	wrdreg $0x0  }
0xa8: {  	s4 =	sshll.u32 s28, $0x1;
	[dreg:$0x2] =	wrdreg s2  }
0xa9: {  	[dreg:$0x3] =	wrdreg s4  }
0xaa: {  	[dreg:$0x4] =	wrdreg $0xC0  }
0xab: {  	_ =	task [dreg:s6], $0x5FFFF  }
0xac: {  	[dreg:$0x1] =	wrdreg $0xFFFFFFFF  }
0xad: {  	[dreg:$0x0] =	wrdreg $0x60  }
0xae: {  	[dreg:$0x2] =	wrdreg s24  }
0xaf: {  	[dreg:$0x3] =	wrdreg $0x9  }
0xb0: {  	_ =	task.clear_ibuf [dreg:s6], $0x4FFFF;
	_ =	strace $0x9000004F  }
0xb1: {  	s29 =	simm.s32 $0x9;
	_ =	strace $0x80000051  }
0xb2: {  	_ =	swait.ge [sflag:s29], $0x1  }
0xb3: {  	[sflag:s29] =	ssyncadd.s32 $0xFFFFFFFF  }
0xb4: {  	_ =	strace $0x90000051  }
0xb5: {  	_ =	sfence  }
0xb6: {  	s30 =	sld [smem:$0x0];
	_ =	sdelay $0x2  }
0xb7: {  	s31 =	sshll.u32 s1, $0xD;
	s1 =	sshrl.u32 s1, $0x2  }
0xb8: {  	s3 =	sand.u32 $0x4000, s31;
	s1 =	sadd.s32 s1, s30  }
0xb9: {  	s0 =	sor.u32 s3, s0;
	s1 =	sshll.u32 s1, $0x11  }
0xba: {  	s0 =	sor.u32 s1, s0  }
0xbb: {  	s0 =	sadd.s32 $0x8F2B, s0  }
0xbc: {  	[sflag:s0] =	ssyncadd.remote.s32 $0x1  }
0xbd: {  	_ =	sfence.sel $0xFFFF  }
0xbe: {  	[dreg:$0x0] =	wrdreg $0xFFFFFFFF;
	(pc) =	sbr.abs _section_cstart, $3  }
0xbf: {  	[dreg:$0x1] =	wrdreg $0xFFFFFFFF  }
0xc0: {  	_ =	task.clear_ibuf [dreg:s6], $0x2FFFF;
	_ =	strace $0x9FFFFFFF  }
0xc1: {  	(tm) =	ssettm $0x7FFFFFFF  }
tec
execute0_lowered:
.L_overlay_start_1:
0x0: {  	(tag) =	ssettag $0x1  }
0x1: {  	s2 =	rddreg [dreg:$0x0]  }
0x2: {  	s0 =	rddreg [dreg:$0x1]  }
0x3: {  	s1 =	srdreg.scid;
	_ =	strace $0x80000050;
	s4 =	simm.s32 $0x1  }
0x4: {  	s9 =	simm.s32 $0x3;
	s12 =	simm.s32 $0x0;
	s5 =	sshll.u32 s1, $0x4  }
.Ltmp0:
0x5: {  	s1 =	stileid.u32;
	s5 =	sand.u32 $0x10, s5;
	(pc) =	sbr.rel .LBB2_1-.Ltmp0, $4  }
0x6: {  	s10 =	simm.s32 $0x0;
	s3 =	sadd.s32 $0x20000, s2;
	s6 =	sor.u32 s1, s5  }
0x7: {  	[sflag:s4] =	ssyncpa.u1 $0x0;
	s5 =	simm.s32 $0x2;
	s6 =	sshll.u32 s6, $0x8  }
0x8: {  	s7 =	sadd.s32 $0x100000, s2;
	[sflag:s5] =	ssyncpa.u1 $0x0;
	s8 =	sadd.s32 $0x100, s6  }
0x9: {  	vm0 =	vmmov $0xff;
	vm1 =	vcmask $0x3F20;
	[sflag:s9] =	ssyncpa.u1 $0x0;
	s9 =	simm.s32 $0x100;
	s11 =	smov.u32 s6  }
.LBB2_9:
0xa: {  	p0 =	seq.s32 s10, $0x2  }
.Ltmp1:
0xb: {  	_ = 	snop;
	(pc) =	sbr.rel @p0 .LBB2_11-.Ltmp1, $1  }
0xc: {  	_ =	sdelay $0x3  }
.LBB2_10:
0xd: {  	s12 =	sadd.s32 $0x100, s11  }
0xe: {  	s13 =	smov.u32 s6;
	p0 =	slt.s32 s12, s8  }
0xf: {  	s13 =	smov.u32 @p0 s12  }
0x10: {  	s10 =	sadd.s32 $0x1, s10;
	s12 =	smov.u32 s11;
	s11 =	smov.u32 s13  }
.LBB2_1:
0x11: {  	p0 =	sne.s32 s10, $0x0  }
.Ltmp2:
0x12: {  	_ = 	snop;
	(pc) =	sbr.rel @!p0 .LBB2_2-.Ltmp2, $1  }
0x13: {  	_ =	sdelay $0x3  }
0x14: {  	s13 =	sand.u32 $0x1, s10  }
0x15: {  	p0 =	seq.s32 s13, $0x0  }
.Ltmp3:
0x16: {  	_ = 	snop;
	(pc) =	sbr.rel @p0 .LBB2_9-.Ltmp3, $1  }
0x17: {  	_ =	sdelay $0x3  }
0x18: {  	_ =	swait.ge [sflag:s5], $0x100  }
0x19: {  	[sflag:s5] =	ssyncset.done $0x0  }
0x1a: {  	s13 =	simm.s32 $0x0;
	[sflag:s5] =	ssyncadd.s32 $0xFFFFFF00  }
0x1b: {  	v0 =	vld.msk [tilespmem:s13+$0x100 ss:$0x1], $0xffff;
	_ =	sdelay $0x4  }
0x1c: {  	vm2 =	vgt.s32 v0, $0x0  }
0x1d: {  	v0 =	vnsel vm2, $0x0, v0  }
0x1e: {  	v0 =	vmin.u32 v0, $0x1FFF  }
0x1f: {  	v0 =	vshll.u32 v0, $0x4;
	_ =	sdelay $0x3  }
0x20: {  	s13 =	simm.s32 $0x8200  }
0x21: {  	[tilespmem:s13], [sflag:$0x1] =	stream.indirect_vreg.gather [hbm:s3], $0x80, v0, vm0, $0x38;
	[tilespmem:$0x10200] =	vst v63  }
0x22: {  	s14 =	simm.s32 $0x8600;
	s31 =	simm.s32 $0x10  }
0x23: {  	[tilespmem:s14], [sflag:$0x1] =	stream.indirect_vreg.gather [hbm:s3], $0x80, v0, vm1, $0x38;
	[tilespmem:$0x10200] =	vst v63  }
0x24: {  	s14 =	simm.s32 $0x80;
	v0 =	vld.msk [tilespmem:s31+$0x100 ss:$0x1], $0xffff  }
.LBB2_5:
0x25: {  	p0 =	sne.s32 s14, $0x3C0;
	_ =	sdelay $0x4  }
0x26: {  	vm2 =	vgt.s32 v0, $0x0  }
0x27: {  	v0 =	vnsel vm2, $0x0, v0  }
0x28: {  	v0 =	vmin.u32 v0, $0x1FFF  }
0x29: {  	v0 =	vshll.u32 v0, $0x4;
	_ =	sdelay $0x3  }
.Ltmp4:
0x2a: {  	s13 =	sadd.s32 $0x800, s13;
	(pc) =	sbr.rel @p0 .LBB2_5-.Ltmp4, $4  }
0x2b: {  	[tilespmem:s13], [sflag:$0x1] =	stream.indirect_vreg.gather [hbm:s3], $0x80, v0, vm0, $0x38;
	[tilespmem:$0x10200] =	vst v63  }
0x2c: {  	s15 =	sshra.s32 s14, $0x2;
	s16 =	sadd.s32 $0x400, s13  }
0x2d: {  	[tilespmem:s16], [sflag:$0x1] =	stream.indirect_vreg.gather [hbm:s3], $0x80, v0, vm1, $0x38;
	[tilespmem:$0x10200] =	vst v63  }
0x2e: {  	s14 =	sadd.s32 $0x40, s14;
	v0 =	vld.msk [tilespmem:s15+$0x100 ss:$0x1], $0xffff  }
0x2f: {  	_ =	sdelay $0x3  }
0x30: {  	vm2 =	vgt.s32 v0, $0x0  }
0x31: {  	v0 =	vnsel vm2, $0x0, v0  }
0x32: {  	v0 =	vmin.u32 v0, $0x1FFF  }
0x33: {  	v0 =	vshll.u32 v0, $0x4;
	_ =	sdelay $0x3  }
0x34: {  	s13 =	sadd.s32 $0x800, s13  }
0x35: {  	[tilespmem:s13], [sflag:$0x1] =	stream.indirect_vreg.gather [hbm:s3], $0x80, v0, vm0, $0x38;
	[tilespmem:$0x10200] =	vst v63  }
0x36: {  	s13 =	sadd.s32 $0x400, s13  }
0x37: {  	[tilespmem:s13], [sflag:$0x1] =	stream.indirect_vreg.gather [hbm:s3], $0x80, v0, vm1, $0x38;
	[tilespmem:$0x10200] =	vst v63  }
0x38: {  	s12 =	sshll.u32 s12, $0x4;
	s14 =	simm.s32 $0x80;
	_ =	swait.ge [sflag:s4], $0x8000  }
0x39: {  	s15 =	simm.s32 $0x8600;
	s12 =	sadd.s32 s12, s2;
	[sflag:s4] =	ssyncset.done $0x0  }
0x3a: {  	s16 =	sadd.s32 $0x0, s12;
	s13 =	simm.s32 $0x8200;
	[sflag:s4] =	ssyncadd.s32 $0xFFFF8000  }
.LBB2_7:
0x3b: {  	[hbm:s16] =	stream.linear.scatter [tilespmem:s13], [sflag:$0x3], $0x400, $0x38;
	[tilespmem:$0x10200] =	vst v63  }
0x3c: {  	s16 =	smov.u32 s14;
	s13 =	smov.u32 s15;
	p0 =	sne.s32 s14, $0xF80  }
.Ltmp5:
0x3d: {  	s14 =	sadd.s32 $0x80, s14;
	(pc) =	sbr.rel @p0 .LBB2_7-.Ltmp5, $2  }
0x3e: {  	_ =	sdelay $0x2  }
0x3f: {  	s15 =	sadd.s32 $0x400, s15;
	s16 =	sadd.s32 s16, s12  }
.Ltmp6:
0x40: {  	(pc) =	sbr.rel .LBB2_9-.Ltmp6, $2  }
0x41: {  	_ =	sdelay $0x2  }
0x42: {  	[hbm:s16] =	stream.linear.scatter [tilespmem:s13], [sflag:$0x3], $0x400, $0x38;
	[tilespmem:$0x10200] =	vst v63  }
.LBB2_2:
.Ltmp7:
0x43: {  	(pc) =	sbr.rel .LBB2_10-.Ltmp7, $4  }
0x44: {  	_ = 	snop  }
0x45: {  	s12 =	sshrl.u32 s11, $0x3  }
0x46: {  	s13 =	sand.u32 $0x7, s11;
	s12 =	sadd.s32 s7, s12  }
0x47: {  	[tilespmem:s9], [sflag:$0x2] =	stream.linear.gather [hbm4b:s12+s13], $0x100, $0x38;
	[tilespmem:$0x10200] =	vst v63  }
.LBB2_11:
0x48: {  	s2 =	simm.s32 $0x3  }
0x49: {  	_ =	swait.ge [sflag:s2], $0x8000  }
0x4a: {  	[sflag:s2] =	ssyncset.done $0x0  }
0x4b: {  	[sflag:s2] =	ssyncadd.s32 $0xFFFF8000  }
0x4c: {  	_ =	sfence.sel $0x180000  }
0x4d: {  	s3 =	simm.s32 $0x2;
	[bflag:$0x0] =	sbarrier.arrive $0xFFFF  }
0x4e: {  	[sflag:s3] =	ssyncpa.u1 $0x1  }
0x4f: {  	s31 =	simm.s32 $0x1;
	[sflag:s2] =	ssyncpa.u1 $0x1  }
0x50: {  	[sflag:s31] =	ssyncpa.u1 $0x1  }
0x51: {  	p0 =	sne.s32 s1, $0x0;
	_ =	strace $0x90000050  }
0x52: {  	s0 =	sadd.s32 @!p0 $0x100000, s0;
	[bflag:$0x2] =	sbarrier.arrive $0xFFFF  }
0x53: {  	[sflag:s0] =	ssyncadd.tile.s32 @!p0 $0x1;
	_ =	shalt  }
.Lfunc_end2:
_tile_overlayer_lowered:
.L_overlay_start_2:
0x54: {  	(tag) =	ssettag $0x2  }
0x55: {  	s0 =	rddreg [dreg:$0x0];
	s2 =	stileid.u32  }
0x56: {  	s1 =	rddreg [dreg:$0x1];
	p0 =	sne.s32 s2, $0x0  }
0x57: {  	s3 =	rddreg [dreg:$0x2];
	[bflag:$0x3] =	sbarrier.arrive $0xFFFF;
	s2 =	simm.s32 @!p0 $0x1C01  }
0x58: {  	[timem:s3], [sflag:s2] =	dma.local @!p0 [hbm:s0], s1  }
0x59: {  	s0 =	simm.s32 @!p0 $0x1  }
0x5a: {  	_ =	swait.ge @!p0 [sflag:s0], s1  }
0x5b: {  	s1 =	ssub.s32 @!p0 $0x0, s1;
	[sflag:s0] =	ssyncset.done @!p0 $0x0  }
0x5c: {  	[sflag:s0] =	ssyncadd.s32 @!p0 s1  }
0x5d: {  	[bflag:$0x3] =	sbarrier.arrive $0xFFFF  }
0x5e: {  	_ =	shalt  }

// kernel: gather_offload_async_start.4
scs
__scs_entry_jumppad:
0x0: {  	(pc) =	sbr.rel $0x88, $3  }
0x1: {  	(tag) =	ssettag $0x0;
	lr =	simm.s32 $0x1  }
0x2: {  	[smem:$0x3F9A] =	sst lr;
	_ =	strace $0xD0000000  }
0x3: {  	_ = 	snop  }
0x4: {  	_ = 	snop  }
0x5: {  	_ = 	snop  }
0x6: {  	_ = 	snop  }
0x7: {  	_ = 	snop  }
__scs_overlays_trampoline_lowered:
0x8: {  	[smem:$0x3FA9] =	sst s0  }
0x9: {  	[smem:$0x3FAA] =	sst s1  }
0xa: {  	[smem:$0x3FAB] =	sst s2  }
0xb: {  	[smem:$0x3FAC] =	sst s3  }
0xc: {  	[smem:$0x3FAD] =	sst s4  }
0xd: {  	[smem:$0x3FAE] =	sst s5  }
0xe: {  	[smem:$0x3FAF] =	sst s6  }
0xf: {  	[smem:$0x3FB0] =	sst s7  }
0x10: {  	[smem:$0x3FB1] =	sst s8  }
0x11: {  	[smem:$0x3FB2] =	sst s9;
	s0 =	simm.s32 @!p0 $0x0  }
0x12: {  	s1 =	sld [smem:$0x3F98];
	s0 =	simm.s32 @p0 $0x1  }
0x13: {  	[smem:$0x3FB3] =	sst s0;
	s0 =	simm.s32 @!p1 $0x0  }
0x14: {  	s2 =	sld [smem:$0x3F97];
	s0 =	simm.s32 @p1 $0x1  }
0x15: {  	[smem:$0x3FB4] =	sst s0;
	s0 =	simm.s32 @!p2 $0x0  }
0x16: {  	s3 =	sld [smem:$0x3FDB];
	s0 =	simm.s32 @p2 $0x1  }
0x17: {  	s4 =	simm.s32 $0x1BF5;
	[smem:$0x3FB6] =	sst s0  }
0x18: {  	s0 =	sld [smem:$0x3F99];
	_ =	swait.ge [sflag:s4], $0x0  }
0x19: {  	s7 =	sld [smem:$0x3F9A]  }
0x1a: {  	s8 =	sadd.s32 $0xFFFFE003, lr  }
0x1b: {  	s9 =	sadd.s32 $0xFFFFFEF7, lr;
	s5 =	simm.s32 $0xFFFFFFFF;
	p2 =	slt.u32 s8, $0xFFFFF086  }
0x1c: {  	p1 =	slt.u32 s9, $0xF7A;
	s5 =	simm.s32 @!p2 $0x0  }
0x1d: {  	s5 =	simm.s32 @p1 $0x1;
	p0 =	seq.s32 s7, s2  }
0x1e: {  	s7 =	smul.u32 @!p0 $0xF7A, s2;
	p2 =	seq.s32 @!p0 s5, $0x0  }
0x1f: {  	s9 =	smul.u32 $0xF7A, s1;
	s8 =	simm.s32 @!p0 $0x1BF5;
	p2 =	por !p2, p0  }
0x20: {  	[sflag:s8] =	ssyncset.s32 @!p0 $0xFFFFF086;
	s6 =	sadd.s32 @!p0 s3, s7;
	s7 =	simm.s32 @!p0 $0x108  }
0x21: {  	s3 =	sadd.s32 s3, s9;
	s6 =	sadd.s32 @!p0 $0x88, s6;
	s7 =	simm.s32 @p2 $0x1082  }
0x22: {  	[simem:s7], [sflag:s8] =	dma.local @!p0 [hbm:s6], $0xF7A  }
0x23: {  	s9 =	sor.u32 $0xD0000000, s2;
	s6 =	simm.s32 $0x108;
	_ =	swait.ge @!p0 [sflag:s8], $0x0  }
0x24: {  	s3 =	sadd.s32 $0x88, s3;
	s6 =	simm.s32 @!p1 $0x1082;
	[sflag:s4] =	ssyncset.s32 $0xFFFFF086  }
0x25: {  	[simem:s6], [sflag:s4] =	dma.local [hbm:s3], $0xF7A  }
0x26: {  	[smem:$0x3F9A] =	sst s1;
	(tag) =	ssettag s2;
	_ =	strace s9  }
0x27: {  	s1 =	sld [smem:$0x3FAA]  }
0x28: {  	s2 =	sld [smem:$0x3FAB]  }
0x29: {  	s4 =	sld [smem:$0x3FAD]  }
0x2a: {  	p0 =	seq.s32 s5, $0x0;
	s5 =	sld [smem:$0x3FAE]  }
0x2b: {  	s6 =	sld [smem:$0x3FAF]  }
0x2c: {  	s7 =	sld [smem:$0x3FB0]  }
0x2d: {  	s3 =	simm.s32 $0x108;
	s8 =	sld [smem:$0x3FB1]  }
0x2e: {  	s3 =	simm.s32 @!p0 $0x1082;
	s9 =	sld [smem:$0x3FB2]  }
0x2f: {  	lr =	sadd.s32 s0, s3;
	s0 =	sld [smem:$0x3FA9]  }
0x30: {  	s3 =	sld [smem:$0x3FAC]  }
0x31: {  	[smem:$0x3FB5] =	sst s10  }
0x32: {  	s10 =	sld [smem:$0x3FB3];
	_ =	sdelay $0x3  }
0x33: {  	p0 =	seq.s32 s10, $0x1;
	s10 =	sld [smem:$0x3FB5];
	_ =	sdelay $0x3  }
0x34: {  	[smem:$0x3FB5] =	sst s10  }
0x35: {  	s10 =	sld [smem:$0x3FB4];
	_ =	sdelay $0x3  }
0x36: {  	p1 =	seq.s32 s10, $0x1;
	s10 =	sld [smem:$0x3FB5];
	_ =	sdelay $0x3  }
0x37: {  	[smem:$0x3FB5] =	sst s10  }
0x38: {  	s10 =	sld [smem:$0x3FB6]  }
0x39: {  	_ = 	snop;
	(pc) =	sbr.ind lr, $3  }
0x3a: {  	_ = 	snop  }
0x3b: {  	_ = 	snop  }
0x3c: {  	p2 =	seq.s32 s10, $0x1;
	s10 =	sld [smem:$0x3FB5]  }
0x3d: {  	_ =	shalt  }
0x3e: {  	_ =	shalt  }
0x3f: {  	_ =	shalt  }
0x40: {  	_ =	shalt  }
0x41: {  	_ =	shalt  }
0x42: {  	_ =	shalt  }
0x43: {  	_ =	shalt  }
0x44: {  	_ =	shalt  }
0x45: {  	_ =	shalt  }
0x46: {  	_ =	shalt  }
0x47: {  	_ =	shalt  }
0x48: {  	_ =	shalt  }
0x49: {  	_ =	shalt  }
0x4a: {  	_ =	shalt  }
0x4b: {  	_ =	shalt  }
0x4c: {  	_ =	shalt  }
0x4d: {  	_ =	shalt  }
0x4e: {  	_ =	shalt  }
0x4f: {  	_ =	shalt  }
0x50: {  	_ =	shalt  }
0x51: {  	_ =	shalt  }
0x52: {  	_ =	shalt  }
0x53: {  	_ =	shalt  }
0x54: {  	_ =	shalt  }
0x55: {  	_ =	shalt  }
0x56: {  	_ =	shalt  }
0x57: {  	_ =	shalt  }
0x58: {  	_ =	shalt  }
0x59: {  	_ =	shalt  }
0x5a: {  	_ =	shalt  }
0x5b: {  	_ =	shalt  }
0x5c: {  	_ =	shalt  }
0x5d: {  	_ =	shalt  }
0x5e: {  	_ =	shalt  }
0x5f: {  	_ =	shalt  }
0x60: {  	_ =	shalt  }
0x61: {  	_ =	shalt  }
0x62: {  	_ =	shalt  }
0x63: {  	_ =	shalt  }
0x64: {  	_ =	shalt  }
0x65: {  	_ =	shalt  }
0x66: {  	_ =	shalt  }
0x67: {  	_ =	shalt  }
0x68: {  	_ =	shalt  }
0x69: {  	_ =	shalt  }
0x6a: {  	_ =	shalt  }
0x6b: {  	_ =	shalt  }
0x6c: {  	_ =	shalt  }
0x6d: {  	_ =	shalt  }
0x6e: {  	_ =	shalt  }
0x6f: {  	_ =	shalt  }
0x70: {  	_ =	shalt  }
0x71: {  	_ =	shalt  }
0x72: {  	_ =	shalt  }
0x73: {  	_ =	shalt  }
0x74: {  	_ =	shalt  }
0x75: {  	_ =	shalt  }
0x76: {  	_ =	shalt  }
0x77: {  	_ =	shalt  }
0x78: {  	_ =	shalt  }
0x79: {  	_ =	shalt  }
0x7a: {  	_ =	shalt  }
0x7b: {  	_ =	shalt  }
0x7c: {  	_ =	shalt  }
0x7d: {  	_ =	shalt  }
0x7e: {  	_ =	shalt  }
0x7f: {  	_ =	shalt  }
0x80: {  	_ =	shalt  }
0x81: {  	_ =	shalt  }
0x82: {  	_ =	shalt  }
0x83: {  	_ =	shalt  }
0x84: {  	_ =	shalt  }
0x85: {  	_ =	shalt  }
0x86: {  	_ =	shalt  }
0x87: {  	_ =	shalt  }
.Lfunc_end0:
.L_simem_size_0:
called_computation.4_lowered:
.L_overlay_start_0:
0x88: {  	s2 =	sld [smem:$0x3FD9]  }
0x89: {  	s3 =	sld [smem:$0x3FFE];
	_ =	sdelay $0x1  }
0x8a: {  	s1 =	srdreg.scid  }
0x8b: {  	s0 =	sand.u32 $0x1, s1  }
0x8c: {  	s17 =	sshll.u32 s0, $0xA;
	s2 =	sadd.s32 s3, s2  }
0x8d: {  	s2 =	sadd.s32 s2, s17  }
0x8e: {  	[smem:$0x3FC1] =	sst s2  }
0x8f: {  	_ = 	snop  }
0x90: {  	(tm) =	ssettm $0x1  }
0x91: {  	s18 =	sld [smem:$0x3FFB];
	_ =	sdelay $0x3  }
0x92: {  	_ =	strace s18  }
0x93: {  	s2 =	sld [smem:$0x3FFC];
	_ =	sdelay $0x3  }
0x94: {  	_ =	strace s2  }
0x95: {  	s2 =	sld [smem:$0x3FFD];
	_ =	sdelay $0x3  }
0x96: {  	_ =	strace s2  }
0x97: {  	_ =	strace $0x8FFFFFFF  }
0x98: {  	s19 =	sld [smem:$0x3FDB];
	_ =	sdelay $0x1  }
0x99: {  	s20 =	simm.s32 $_scs_section_size  }
0x9a: {  	s4 =	simm.s32 $_size__tile_overlayer_lowered;
	s5 =	simm.s32 $_tile_overlayer_lowered  }
0x9b: {  	s6 =	simm.s32 $0x1BFF;
	s21 =	sshll.u32 s5, $0x1;
	s3 =	sadd.s32 s20, s19  }
0x9c: {  	s22 =	simm.s32 $0x0;
	s4 =	sshll.u32 s4, $0x1;
	s5 =	sadd.s32 s21, s3  }
0x9d: {  	[timem:s22], [sflag:s6] =	dma.local [hbm:s5], s4  }
0x9e: {  	_ =	swait.ge [sflag:s6], s4  }
0x9f: {  	s4 =	ssub.s32 $0x0, s4;
	[sflag:s6] =	ssyncset.done $0x0  }
0xa0: {  	[sflag:s6] =	ssyncadd.s32 s4;
	_ =	sdelay $0x1  }
0xa1: {  	s23 =	simm.s32 $0x1B8B  }
0xa2: {  	_ =	swait.ge [sflag:s23], $0x1  }
0xa3: {  	[sflag:s23] =	ssyncset.done $0x0  }
0xa4: {  	[sflag:s23] =	ssyncadd.s32 $0xFFFFFFFF  }
0xa5: {  	s4 =	sld [smem:$0x0]  }
0xa6: {  	s5 =	sand.u32 $0xFFFFFFFE, s1  }
0xa7: {  	p0 =	sne.s32 s1, s5  }
0xa8: {  	s5 =	sshll.u32 @p0 s5, $0xE  }
0xa9: {  	s5 =	sadd.s32 @p0 $0x11B8D, s5;
	s6 =	sshll.u32 @p0 s4, $0x11  }
0xaa: {  	s5 =	sor.u32 @p0 s6, s5  }
0xab: {  	[sflag:s5] =	ssyncadd.remote.s32 @p0 $0x1;
	_ =	sdelay $0x1  }
0xac: {  	s5 =	simm.s32 @p0 $0x1B8D  }
0xad: {  	_ =	swait.eq @p0 [sflag:s5], $0x1  }
0xae: {  	[sflag:s5] =	ssyncadd.s32 @p0 $0xFFFFFFFF  }
0xaf: {  	s6 =	sshll.u32 @!p0 s1, $0xE  }
0xb0: {  	s6 =	sor.u32 @!p0 $0x4000, s6;
	s5 =	simm.s32 @!p0 $0x1B8D  }
0xb1: {  	s4 =	sshll.u32 @!p0 s4, $0x11;
	s6 =	sadd.s32 @!p0 $0x11B8D, s6;
	_ =	swait.eq @!p0 [sflag:s5], $0x1  }
0xb2: {  	s4 =	sor.u32 @!p0 s4, s6;
	[sflag:s5] =	ssyncadd.s32 @!p0 $0xFFFFFFFF  }
0xb3: {  	s25 =	simm.s32 $0x1B8E;
	s24 =	sld [smem:$0x3FFE];
	[sflag:s4] =	ssyncadd.remote.s32 @!p0 $0x1  }
0xb4: {  	s26 =	simm.s32 $execute0_lowered;
	[smem:$0x3FD2] =	sst s25  }
0xb5: {  	s5 =	sshll.u32 s26, $0x1;
	_ =	strace $0x80000052;
	[dreg:$0x1] =	wrdreg $0xFFFFFFFF  }
0xb6: {  	s28 =	simm.s32 $_size_execute0_lowered;
	s3 =	sadd.s32 s3, s5;
	[dreg:$0x0] =	wrdreg $0x0  }
0xb7: {  	s5 =	sshll.u32 s28, $0x1;
	[dreg:$0x2] =	wrdreg s3  }
0xb8: {  	[dreg:$0x3] =	wrdreg s5  }
0xb9: {  	[dreg:$0x4] =	wrdreg $0xC0  }
0xba: {  	_ =	task [dreg:s22], $0x5FFFF  }
0xbb: {  	[dreg:$0x1] =	wrdreg $0xFFFFFFFF  }
0xbc: {  	[dreg:$0x0] =	wrdreg $0x60  }
0xbd: {  	[dreg:$0x2] =	wrdreg s24  }
0xbe: {  	[dreg:$0x3] =	wrdreg $0xA  }
0xbf: {  	_ =	task.clear_ibuf [dreg:s22], $0x4FFFF;
	_ =	strace $0x90000052  }
0xc0: {  	s29 =	simm.s32 $0xA;
	_ =	strace $0x80000054  }
0xc1: {  	_ =	swait.ge [sflag:s29], $0x1  }
0xc2: {  	[sflag:s29] =	ssyncadd.s32 $0xFFFFFFFF  }
0xc3: {  	_ =	strace $0x90000054  }
0xc4: {  	_ =	sfence  }
0xc5: {  	s30 =	sld [smem:$0x0];
	_ =	sdelay $0x2  }
0xc6: {  	s31 =	sshll.u32 s1, $0xD;
	s1 =	sshrl.u32 s1, $0x2  }
0xc7: {  	s4 =	sand.u32 $0x4000, s31;
	s1 =	sadd.s32 s1, s30  }
0xc8: {  	s0 =	sor.u32 s4, s0;
	s1 =	sshll.u32 s1, $0x11  }
0xc9: {  	s0 =	sor.u32 s1, s0  }
0xca: {  	s0 =	sadd.s32 $0x8F2B, s0  }
0xcb: {  	[sflag:s0] =	ssyncadd.remote.s32 $0x1  }
0xcc: {  	_ =	sfence.sel $0xFFFF  }
0xcd: {  	[dreg:$0x0] =	wrdreg $0xFFFFFFFF;
	(pc) =	sbr.abs _section_cstart, $3  }
0xce: {  	[dreg:$0x1] =	wrdreg $0xFFFFFFFF  }
0xcf: {  	_ =	task.clear_ibuf [dreg:s22], $0x2FFFF;
	_ =	strace $0x9FFFFFFF  }
0xd0: {  	(tm) =	ssettm $0x7FFFFFFF  }
0xd1: {  	_ =	shalt  }
tec
execute0_lowered:
.L_overlay_start_1:
0x0: {  	(tag) =	ssettag $0x1  }
0x1: {  	s7 =	rddreg [dreg:$0x0]  }
0x2: {  	s0 =	rddreg [dreg:$0x1];
	_ =	strace $0x80000053  }
0x3: {  	s1 =	srdreg.scid;
	s4 =	simm.s32 $0x1;
	s9 =	simm.s32 $0x3  }
0x4: {  	s12 =	simm.s32 $0x0;
	s10 =	simm.s32 $0x0;
	s5 =	sshll.u32 s1, $0x4  }
.Ltmp0:
0x5: {  	s1 =	stileid.u32;
	s5 =	sand.u32 $0x10, s5;
	(pc) =	sbr.rel .LBB2_1-.Ltmp0, $4  }
0x6: {  	s2 =	sadd.s32 $0x100400, s7;
	s3 =	sadd.s32 $0x100000, s7;
	s6 =	sor.u32 s1, s5  }
0x7: {  	[sflag:s4] =	ssyncpa.u1 $0x0;
	s5 =	simm.s32 $0x2;
	s6 =	sshll.u32 s6, $0x8  }
0x8: {  	s7 =	sadd.s32 $0x40000, s7;
	[sflag:s5] =	ssyncpa.u1 $0x0;
	s8 =	sadd.s32 $0x100, s6  }
0x9: {  	vm0 =	vmmov $0xff;
	vm1 =	vcmask $0x3F20;
	[sflag:s9] =	ssyncpa.u1 $0x0;
	s9 =	simm.s32 $0x100;
	s11 =	smov.u32 s6  }
.LBB2_9:
0xa: {  	p0 =	seq.s32 s10, $0x2  }
.Ltmp1:
0xb: {  	_ = 	snop;
	(pc) =	sbr.rel @p0 .LBB2_11-.Ltmp1, $1  }
0xc: {  	_ =	sdelay $0x3  }
.LBB2_10:
0xd: {  	s12 =	sadd.s32 $0x100, s11  }
0xe: {  	s13 =	smov.u32 s6;
	p0 =	slt.s32 s12, s8  }
0xf: {  	s13 =	smov.u32 @p0 s12  }
0x10: {  	s10 =	sadd.s32 $0x1, s10;
	s12 =	smov.u32 s11;
	s11 =	smov.u32 s13  }
.LBB2_1:
0x11: {  	p0 =	sne.s32 s10, $0x0  }
.Ltmp2:
0x12: {  	_ = 	snop;
	(pc) =	sbr.rel @!p0 .LBB2_2-.Ltmp2, $1  }
0x13: {  	_ =	sdelay $0x3  }
0x14: {  	s13 =	sand.u32 $0x1, s10  }
0x15: {  	p0 =	seq.s32 s13, $0x0  }
.Ltmp3:
0x16: {  	_ = 	snop;
	(pc) =	sbr.rel @p0 .LBB2_9-.Ltmp3, $1  }
0x17: {  	_ =	sdelay $0x3  }
0x18: {  	_ =	swait.ge [sflag:s5], $0x100  }
0x19: {  	[sflag:s5] =	ssyncset.done $0x0  }
0x1a: {  	s13 =	simm.s32 $0x0;
	[sflag:s5] =	ssyncadd.s32 $0xFFFFFF00  }
0x1b: {  	v0 =	vld.msk [tilespmem:s13+$0x100 ss:$0x1], $0xffff;
	_ =	sdelay $0x4  }
0x1c: {  	vm2 =	vgt.s32 v0, $0x0  }
0x1d: {  	v0 =	vnsel vm2, $0x0, v0  }
0x1e: {  	v0 =	vmin.u32 v0, $0x1FFF  }
0x1f: {  	v0 =	vshll.u32 v0, $0x4;
	_ =	sdelay $0x3  }
0x20: {  	s13 =	simm.s32 $0x8200  }
0x21: {  	[tilespmem:s13], [sflag:$0x1] =	stream.indirect_vreg.gather [hbm:s2], $0x80, v0, vm0, $0x38;
	[tilespmem:$0x10200] =	vst v63  }
0x22: {  	s14 =	simm.s32 $0x8600;
	s31 =	simm.s32 $0x10  }
0x23: {  	[tilespmem:s14], [sflag:$0x1] =	stream.indirect_vreg.gather [hbm:s2], $0x80, v0, vm1, $0x38;
	[tilespmem:$0x10200] =	vst v63  }
0x24: {  	s14 =	simm.s32 $0x80;
	v0 =	vld.msk [tilespmem:s31+$0x100 ss:$0x1], $0xffff  }
.LBB2_5:
0x25: {  	p0 =	sne.s32 s14, $0x3C0;
	_ =	sdelay $0x4  }
0x26: {  	vm2 =	vgt.s32 v0, $0x0  }
0x27: {  	v0 =	vnsel vm2, $0x0, v0  }
0x28: {  	v0 =	vmin.u32 v0, $0x1FFF  }
0x29: {  	v0 =	vshll.u32 v0, $0x4;
	_ =	sdelay $0x3  }
.Ltmp4:
0x2a: {  	s13 =	sadd.s32 $0x800, s13;
	(pc) =	sbr.rel @p0 .LBB2_5-.Ltmp4, $4  }
0x2b: {  	[tilespmem:s13], [sflag:$0x1] =	stream.indirect_vreg.gather [hbm:s2], $0x80, v0, vm0, $0x38;
	[tilespmem:$0x10200] =	vst v63  }
0x2c: {  	s15 =	sshra.s32 s14, $0x2;
	s16 =	sadd.s32 $0x400, s13  }
0x2d: {  	[tilespmem:s16], [sflag:$0x1] =	stream.indirect_vreg.gather [hbm:s2], $0x80, v0, vm1, $0x38;
	[tilespmem:$0x10200] =	vst v63  }
0x2e: {  	s14 =	sadd.s32 $0x40, s14;
	v0 =	vld.msk [tilespmem:s15+$0x100 ss:$0x1], $0xffff  }
0x2f: {  	_ =	sdelay $0x3  }
0x30: {  	vm2 =	vgt.s32 v0, $0x0  }
0x31: {  	v0 =	vnsel vm2, $0x0, v0  }
0x32: {  	v0 =	vmin.u32 v0, $0x1FFF  }
0x33: {  	v0 =	vshll.u32 v0, $0x4;
	_ =	sdelay $0x3  }
0x34: {  	s13 =	sadd.s32 $0x800, s13  }
0x35: {  	[tilespmem:s13], [sflag:$0x1] =	stream.indirect_vreg.gather [hbm:s2], $0x80, v0, vm0, $0x38;
	[tilespmem:$0x10200] =	vst v63  }
0x36: {  	s13 =	sadd.s32 $0x400, s13  }
0x37: {  	[tilespmem:s13], [sflag:$0x1] =	stream.indirect_vreg.gather [hbm:s2], $0x80, v0, vm1, $0x38;
	[tilespmem:$0x10200] =	vst v63  }
0x38: {  	s12 =	sshll.u32 s12, $0x4;
	s14 =	simm.s32 $0x80;
	_ =	swait.ge [sflag:s4], $0x8000  }
0x39: {  	s15 =	simm.s32 $0x8600;
	s12 =	sadd.s32 s12, s7;
	[sflag:s4] =	ssyncset.done $0x0  }
0x3a: {  	s16 =	sadd.s32 $0x0, s12;
	s13 =	simm.s32 $0x8200;
	[sflag:s4] =	ssyncadd.s32 $0xFFFF8000  }
.LBB2_7:
0x3b: {  	[hbm:s16] =	stream.linear.scatter [tilespmem:s13], [sflag:$0x3], $0x400, $0x38;
	[tilespmem:$0x10200] =	vst v63  }
0x3c: {  	s16 =	smov.u32 s14;
	s13 =	smov.u32 s15;
	p0 =	sne.s32 s14, $0xF80  }
.Ltmp5:
0x3d: {  	s14 =	sadd.s32 $0x80, s14;
	(pc) =	sbr.rel @p0 .LBB2_7-.Ltmp5, $2  }
0x3e: {  	_ =	sdelay $0x2  }
0x3f: {  	s15 =	sadd.s32 $0x400, s15;
	s16 =	sadd.s32 s16, s12  }
.Ltmp6:
0x40: {  	(pc) =	sbr.rel .LBB2_9-.Ltmp6, $2  }
0x41: {  	_ =	sdelay $0x2  }
0x42: {  	[hbm:s16] =	stream.linear.scatter [tilespmem:s13], [sflag:$0x3], $0x400, $0x38;
	[tilespmem:$0x10200] =	vst v63  }
.LBB2_2:
.Ltmp7:
0x43: {  	(pc) =	sbr.rel .LBB2_10-.Ltmp7, $4  }
0x44: {  	_ = 	snop  }
0x45: {  	s12 =	sshrl.u32 s11, $0x3  }
0x46: {  	s13 =	sand.u32 $0x7, s11;
	s12 =	sadd.s32 s3, s12  }
0x47: {  	[tilespmem:s9], [sflag:$0x2] =	stream.linear.gather [hbm4b:s12+s13], $0x100, $0x38;
	[tilespmem:$0x10200] =	vst v63  }
.LBB2_11:
0x48: {  	s2 =	simm.s32 $0x3  }
0x49: {  	_ =	swait.ge [sflag:s2], $0x8000  }
0x4a: {  	[sflag:s2] =	ssyncset.done $0x0  }
0x4b: {  	[sflag:s2] =	ssyncadd.s32 $0xFFFF8000  }
0x4c: {  	_ =	sfence.sel $0x180000  }
0x4d: {  	s3 =	simm.s32 $0x2;
	[bflag:$0x0] =	sbarrier.arrive $0xFFFF  }
0x4e: {  	[sflag:s3] =	ssyncpa.u1 $0x1  }
0x4f: {  	s31 =	simm.s32 $0x1;
	[sflag:s2] =	ssyncpa.u1 $0x1  }
0x50: {  	[sflag:s31] =	ssyncpa.u1 $0x1  }
0x51: {  	p0 =	sne.s32 s1, $0x0;
	_ =	strace $0x90000053  }
0x52: {  	s0 =	sadd.s32 @!p0 $0x100000, s0;
	[bflag:$0x2] =	sbarrier.arrive $0xFFFF  }
0x53: {  	[sflag:s0] =	ssyncadd.tile.s32 @!p0 $0x1;
	_ =	shalt  }
.Lfunc_end2:
_tile_overlayer_lowered:
.L_overlay_start_2:
0x54: {  	(tag) =	ssettag $0x2  }
0x55: {  	s0 =	rddreg [dreg:$0x0];
	s2 =	stileid.u32  }
0x56: {  	s1 =	rddreg [dreg:$0x1];
	p0 =	sne.s32 s2, $0x0  }
0x57: {  	s3 =	rddreg [dreg:$0x2];
	[bflag:$0x3] =	sbarrier.arrive $0xFFFF;
	s2 =	simm.s32 @!p0 $0x1C01  }
0x58: {  	[timem:s3], [sflag:s2] =	dma.local @!p0 [hbm:s0], s1  }
0x59: {  	s0 =	simm.s32 @!p0 $0x1  }
0x5a: {  	_ =	swait.ge @!p0 [sflag:s0], s1  }
0x5b: {  	s1 =	ssub.s32 @!p0 $0x0, s1;
	[sflag:s0] =	ssyncset.done @!p0 $0x0  }
0x5c: {  	[sflag:s0] =	ssyncadd.s32 @!p0 s1  }
0x5d: {  	[bflag:$0x3] =	sbarrier.arrive $0xFFFF  }
0x5e: {  	_ =	shalt  }

// kernel: gather_offload_async_start
scs
__scs_entry_jumppad:
0x0: {  	(pc) =	sbr.rel $0x88, $3  }
0x1: {  	(tag) =	ssettag $0x0;
	lr =	simm.s32 $0x1  }
0x2: {  	[smem:$0x3F9A] =	sst lr;
	_ =	strace $0xD0000000  }
0x3: {  	_ = 	snop  }
0x4: {  	_ = 	snop  }
0x5: {  	_ = 	snop  }
0x6: {  	_ = 	snop  }
0x7: {  	_ = 	snop  }
__scs_overlays_trampoline_lowered:
0x8: {  	[smem:$0x3FA9] =	sst s0  }
0x9: {  	[smem:$0x3FAA] =	sst s1  }
0xa: {  	[smem:$0x3FAB] =	sst s2  }
0xb: {  	[smem:$0x3FAC] =	sst s3  }
0xc: {  	[smem:$0x3FAD] =	sst s4  }
0xd: {  	[smem:$0x3FAE] =	sst s5  }
0xe: {  	[smem:$0x3FAF] =	sst s6  }
0xf: {  	[smem:$0x3FB0] =	sst s7  }
0x10: {  	[smem:$0x3FB1] =	sst s8  }
0x11: {  	[smem:$0x3FB2] =	sst s9;
	s0 =	simm.s32 @!p0 $0x0  }
0x12: {  	s1 =	sld [smem:$0x3F98];
	s0 =	simm.s32 @p0 $0x1  }
0x13: {  	[smem:$0x3FB3] =	sst s0;
	s0 =	simm.s32 @!p1 $0x0  }
0x14: {  	s2 =	sld [smem:$0x3F97];
	s0 =	simm.s32 @p1 $0x1  }
0x15: {  	[smem:$0x3FB4] =	sst s0;
	s0 =	simm.s32 @!p2 $0x0  }
0x16: {  	s3 =	sld [smem:$0x3FDB];
	s0 =	simm.s32 @p2 $0x1  }
0x17: {  	s4 =	simm.s32 $0x1BF5;
	[smem:$0x3FB6] =	sst s0  }
0x18: {  	s0 =	sld [smem:$0x3F99];
	_ =	swait.ge [sflag:s4], $0x0  }
0x19: {  	s7 =	sld [smem:$0x3F9A]  }
0x1a: {  	s8 =	sadd.s32 $0xFFFFE003, lr  }
0x1b: {  	s9 =	sadd.s32 $0xFFFFFEF7, lr;
	s5 =	simm.s32 $0xFFFFFFFF;
	p2 =	slt.u32 s8, $0xFFFFF086  }
0x1c: {  	p1 =	slt.u32 s9, $0xF7A;
	s5 =	simm.s32 @!p2 $0x0  }
0x1d: {  	s5 =	simm.s32 @p1 $0x1;
	p0 =	seq.s32 s7, s2  }
0x1e: {  	s7 =	smul.u32 @!p0 $0xF7A, s2;
	p2 =	seq.s32 @!p0 s5, $0x0  }
0x1f: {  	s9 =	smul.u32 $0xF7A, s1;
	s8 =	simm.s32 @!p0 $0x1BF5;
	p2 =	por !p2, p0  }
0x20: {  	[sflag:s8] =	ssyncset.s32 @!p0 $0xFFFFF086;
	s6 =	sadd.s32 @!p0 s3, s7;
	s7 =	simm.s32 @!p0 $0x108  }
0x21: {  	s3 =	sadd.s32 s3, s9;
	s6 =	sadd.s32 @!p0 $0x88, s6;
	s7 =	simm.s32 @p2 $0x1082  }
0x22: {  	[simem:s7], [sflag:s8] =	dma.local @!p0 [hbm:s6], $0xF7A  }
0x23: {  	s9 =	sor.u32 $0xD0000000, s2;
	s6 =	simm.s32 $0x108;
	_ =	swait.ge @!p0 [sflag:s8], $0x0  }
0x24: {  	s3 =	sadd.s32 $0x88, s3;
	s6 =	simm.s32 @!p1 $0x1082;
	[sflag:s4] =	ssyncset.s32 $0xFFFFF086  }
0x25: {  	[simem:s6], [sflag:s4] =	dma.local [hbm:s3], $0xF7A  }
0x26: {  	[smem:$0x3F9A] =	sst s1;
	(tag) =	ssettag s2;
	_ =	strace s9  }
0x27: {  	s1 =	sld [smem:$0x3FAA]  }
0x28: {  	s2 =	sld [smem:$0x3FAB]  }
0x29: {  	s4 =	sld [smem:$0x3FAD]  }
0x2a: {  	p0 =	seq.s32 s5, $0x0;
	s5 =	sld [smem:$0x3FAE]  }
0x2b: {  	s6 =	sld [smem:$0x3FAF]  }
0x2c: {  	s7 =	sld [smem:$0x3FB0]  }
0x2d: {  	s3 =	simm.s32 $0x108;
	s8 =	sld [smem:$0x3FB1]  }
0x2e: {  	s3 =	simm.s32 @!p0 $0x1082;
	s9 =	sld [smem:$0x3FB2]  }
0x2f: {  	lr =	sadd.s32 s0, s3;
	s0 =	sld [smem:$0x3FA9]  }
0x30: {  	s3 =	sld [smem:$0x3FAC]  }
0x31: {  	[smem:$0x3FB5] =	sst s10  }
0x32: {  	s10 =	sld [smem:$0x3FB3];
	_ =	sdelay $0x3  }
0x33: {  	p0 =	seq.s32 s10, $0x1;
	s10 =	sld [smem:$0x3FB5];
	_ =	sdelay $0x3  }
0x34: {  	[smem:$0x3FB5] =	sst s10  }
0x35: {  	s10 =	sld [smem:$0x3FB4];
	_ =	sdelay $0x3  }
0x36: {  	p1 =	seq.s32 s10, $0x1;
	s10 =	sld [smem:$0x3FB5];
	_ =	sdelay $0x3  }
0x37: {  	[smem:$0x3FB5] =	sst s10  }
0x38: {  	s10 =	sld [smem:$0x3FB6]  }
0x39: {  	_ = 	snop;
	(pc) =	sbr.ind lr, $3  }
0x3a: {  	_ = 	snop  }
0x3b: {  	_ = 	snop  }
0x3c: {  	p2 =	seq.s32 s10, $0x1;
	s10 =	sld [smem:$0x3FB5]  }
0x3d: {  	_ =	shalt  }
0x3e: {  	_ =	shalt  }
0x3f: {  	_ =	shalt  }
0x40: {  	_ =	shalt  }
0x41: {  	_ =	shalt  }
0x42: {  	_ =	shalt  }
0x43: {  	_ =	shalt  }
0x44: {  	_ =	shalt  }
0x45: {  	_ =	shalt  }
0x46: {  	_ =	shalt  }
0x47: {  	_ =	shalt  }
0x48: {  	_ =	shalt  }
0x49: {  	_ =	shalt  }
0x4a: {  	_ =	shalt  }
0x4b: {  	_ =	shalt  }
0x4c: {  	_ =	shalt  }
0x4d: {  	_ =	shalt  }
0x4e: {  	_ =	shalt  }
0x4f: {  	_ =	shalt  }
0x50: {  	_ =	shalt  }
0x51: {  	_ =	shalt  }
0x52: {  	_ =	shalt  }
0x53: {  	_ =	shalt  }
0x54: {  	_ =	shalt  }
0x55: {  	_ =	shalt  }
0x56: {  	_ =	shalt  }
0x57: {  	_ =	shalt  }
0x58: {  	_ =	shalt  }
0x59: {  	_ =	shalt  }
0x5a: {  	_ =	shalt  }
0x5b: {  	_ =	shalt  }
0x5c: {  	_ =	shalt  }
0x5d: {  	_ =	shalt  }
0x5e: {  	_ =	shalt  }
0x5f: {  	_ =	shalt  }
0x60: {  	_ =	shalt  }
0x61: {  	_ =	shalt  }
0x62: {  	_ =	shalt  }
0x63: {  	_ =	shalt  }
0x64: {  	_ =	shalt  }
0x65: {  	_ =	shalt  }
0x66: {  	_ =	shalt  }
0x67: {  	_ =	shalt  }
0x68: {  	_ =	shalt  }
0x69: {  	_ =	shalt  }
0x6a: {  	_ =	shalt  }
0x6b: {  	_ =	shalt  }
0x6c: {  	_ =	shalt  }
0x6d: {  	_ =	shalt  }
0x6e: {  	_ =	shalt  }
0x6f: {  	_ =	shalt  }
0x70: {  	_ =	shalt  }
0x71: {  	_ =	shalt  }
0x72: {  	_ =	shalt  }
0x73: {  	_ =	shalt  }
0x74: {  	_ =	shalt  }
0x75: {  	_ =	shalt  }
0x76: {  	_ =	shalt  }
0x77: {  	_ =	shalt  }
0x78: {  	_ =	shalt  }
0x79: {  	_ =	shalt  }
0x7a: {  	_ =	shalt  }
0x7b: {  	_ =	shalt  }
0x7c: {  	_ =	shalt  }
0x7d: {  	_ =	shalt  }
0x7e: {  	_ =	shalt  }
0x7f: {  	_ =	shalt  }
0x80: {  	_ =	shalt  }
0x81: {  	_ =	shalt  }
0x82: {  	_ =	shalt  }
0x83: {  	_ =	shalt  }
0x84: {  	_ =	shalt  }
0x85: {  	_ =	shalt  }
0x86: {  	_ =	shalt  }
0x87: {  	_ =	shalt  }
.Lfunc_end0:
.L_simem_size_0:
called_computation_lowered:
.L_overlay_start_0:
0x88: {  	s2 =	sld [smem:$0x3FD9]  }
0x89: {  	s3 =	sld [smem:$0x3FFE];
	_ =	sdelay $0x1  }
0x8a: {  	s1 =	srdreg.scid  }
0x8b: {  	s0 =	sand.u32 $0x1, s1  }
0x8c: {  	s17 =	sshll.u32 s0, $0xA;
	s2 =	sadd.s32 s3, s2  }
0x8d: {  	s2 =	sadd.s32 s2, s17  }
0x8e: {  	[smem:$0x3FC1] =	sst s2  }
0x8f: {  	_ = 	snop  }
0x90: {  	(tm) =	ssettm $0x1  }
0x91: {  	s18 =	sld [smem:$0x3FFB];
	_ =	sdelay $0x3  }
0x92: {  	_ =	strace s18  }
0x93: {  	s2 =	sld [smem:$0x3FFC];
	_ =	sdelay $0x3  }
0x94: {  	_ =	strace s2  }
0x95: {  	s2 =	sld [smem:$0x3FFD];
	_ =	sdelay $0x3  }
0x96: {  	_ =	strace s2  }
0x97: {  	_ =	strace $0x8FFFFFFF  }
0x98: {  	s19 =	sld [smem:$0x3FDB];
	_ =	sdelay $0x1  }
0x99: {  	s20 =	simm.s32 $_scs_section_size  }
0x9a: {  	s4 =	simm.s32 $_size__tile_overlayer_lowered;
	s5 =	simm.s32 $_tile_overlayer_lowered  }
0x9b: {  	s6 =	simm.s32 $0x1BFF;
	s21 =	sshll.u32 s5, $0x1;
	s3 =	sadd.s32 s20, s19  }
0x9c: {  	s22 =	simm.s32 $0x0;
	s4 =	sshll.u32 s4, $0x1;
	s5 =	sadd.s32 s21, s3  }
0x9d: {  	[timem:s22], [sflag:s6] =	dma.local [hbm:s5], s4  }
0x9e: {  	_ =	swait.ge [sflag:s6], s4  }
0x9f: {  	s4 =	ssub.s32 $0x0, s4;
	[sflag:s6] =	ssyncset.done $0x0  }
0xa0: {  	[sflag:s6] =	ssyncadd.s32 s4;
	_ =	sdelay $0x1  }
0xa1: {  	s23 =	simm.s32 $0x1B8B  }
0xa2: {  	_ =	swait.ge [sflag:s23], $0x1  }
0xa3: {  	[sflag:s23] =	ssyncset.done $0x0  }
0xa4: {  	[sflag:s23] =	ssyncadd.s32 $0xFFFFFFFF  }
0xa5: {  	s4 =	sld [smem:$0x0]  }
0xa6: {  	s5 =	sand.u32 $0xFFFFFFFE, s1  }
0xa7: {  	p0 =	sne.s32 s1, s5  }
0xa8: {  	s5 =	sshll.u32 @p0 s5, $0xE  }
0xa9: {  	s5 =	sadd.s32 @p0 $0x11B8D, s5;
	s6 =	sshll.u32 @p0 s4, $0x11  }
0xaa: {  	s5 =	sor.u32 @p0 s6, s5  }
0xab: {  	[sflag:s5] =	ssyncadd.remote.s32 @p0 $0x1;
	_ =	sdelay $0x1  }
0xac: {  	s5 =	simm.s32 @p0 $0x1B8D  }
0xad: {  	_ =	swait.eq @p0 [sflag:s5], $0x1  }
0xae: {  	[sflag:s5] =	ssyncadd.s32 @p0 $0xFFFFFFFF  }
0xaf: {  	s6 =	sshll.u32 @!p0 s1, $0xE  }
0xb0: {  	s6 =	sor.u32 @!p0 $0x4000, s6;
	s5 =	simm.s32 @!p0 $0x1B8D  }
0xb1: {  	s4 =	sshll.u32 @!p0 s4, $0x11;
	s6 =	sadd.s32 @!p0 $0x11B8D, s6;
	_ =	swait.eq @!p0 [sflag:s5], $0x1  }
0xb2: {  	s4 =	sor.u32 @!p0 s4, s6;
	[sflag:s5] =	ssyncadd.s32 @!p0 $0xFFFFFFFF  }
0xb3: {  	s25 =	simm.s32 $0x1B8E;
	s24 =	sld [smem:$0x3FFE];
	[sflag:s4] =	ssyncadd.remote.s32 @!p0 $0x1  }
0xb4: {  	s26 =	simm.s32 $execute0_lowered;
	[smem:$0x3FD2] =	sst s25  }
0xb5: {  	s5 =	sshll.u32 s26, $0x1;
	_ =	strace $0x80000049;
	[dreg:$0x1] =	wrdreg $0xFFFFFFFF  }
0xb6: {  	s28 =	simm.s32 $_size_execute0_lowered;
	s3 =	sadd.s32 s3, s5;
	[dreg:$0x0] =	wrdreg $0x0  }
0xb7: {  	s5 =	sshll.u32 s28, $0x1;
	[dreg:$0x2] =	wrdreg s3  }
0xb8: {  	[dreg:$0x3] =	wrdreg s5  }
0xb9: {  	[dreg:$0x4] =	wrdreg $0xC0  }
0xba: {  	_ =	task [dreg:s22], $0x5FFFF  }
0xbb: {  	[dreg:$0x1] =	wrdreg $0xFFFFFFFF  }
0xbc: {  	[dreg:$0x0] =	wrdreg $0x60  }
0xbd: {  	[dreg:$0x2] =	wrdreg s24  }
0xbe: {  	[dreg:$0x3] =	wrdreg $0x9  }
0xbf: {  	_ =	task.clear_ibuf [dreg:s22], $0x4FFFF;
	_ =	strace $0x90000049  }
0xc0: {  	s29 =	simm.s32 $0x9;
	_ =	strace $0x8000004B  }
0xc1: {  	_ =	swait.ge [sflag:s29], $0x1  }
0xc2: {  	[sflag:s29] =	ssyncadd.s32 $0xFFFFFFFF  }
0xc3: {  	_ =	strace $0x9000004B  }
0xc4: {  	_ =	sfence  }
0xc5: {  	s30 =	sld [smem:$0x0];
	_ =	sdelay $0x2  }
0xc6: {  	s31 =	sshll.u32 s1, $0xD;
	s1 =	sshrl.u32 s1, $0x2  }
0xc7: {  	s4 =	sand.u32 $0x4000, s31;
	s1 =	sadd.s32 s1, s30  }
0xc8: {  	s0 =	sor.u32 s4, s0;
	s1 =	sshll.u32 s1, $0x11  }
0xc9: {  	s0 =	sor.u32 s1, s0  }
0xca: {  	s0 =	sadd.s32 $0x8F2B, s0  }
0xcb: {  	[sflag:s0] =	ssyncadd.remote.s32 $0x1  }
0xcc: {  	_ =	sfence.sel $0xFFFF  }
0xcd: {  	[dreg:$0x0] =	wrdreg $0xFFFFFFFF;
	(pc) =	sbr.abs _section_cstart, $3  }
0xce: {  	[dreg:$0x1] =	wrdreg $0xFFFFFFFF  }
0xcf: {  	_ =	task.clear_ibuf [dreg:s22], $0x2FFFF;
	_ =	strace $0x9FFFFFFF  }
0xd0: {  	(tm) =	ssettm $0x7FFFFFFF  }
0xd1: {  	_ =	shalt  }
tec
execute0_lowered:
.L_overlay_start_1:
0x0: {  	(tag) =	ssettag $0x1  }
0x1: {  	s2 =	rddreg [dreg:$0x0]  }
0x2: {  	s0 =	rddreg [dreg:$0x1]  }
0x3: {  	s1 =	srdreg.scid;
	_ =	strace $0x8000004A;
	s4 =	simm.s32 $0x1  }
0x4: {  	s9 =	simm.s32 $0x3;
	s12 =	simm.s32 $0x0;
	s5 =	sshll.u32 s1, $0x4  }
.Ltmp0:
0x5: {  	s1 =	stileid.u32;
	s5 =	sand.u32 $0x10, s5;
	(pc) =	sbr.rel .LBB2_1-.Ltmp0, $4  }
0x6: {  	s10 =	simm.s32 $0x0;
	s3 =	sadd.s32 $0x100000, s2;
	s6 =	sor.u32 s1, s5  }
0x7: {  	[sflag:s4] =	ssyncpa.u1 $0x0;
	s5 =	simm.s32 $0x2;
	s6 =	sshll.u32 s6, $0x8  }
0x8: {  	s7 =	sadd.s32 $0x40000, s2;
	[sflag:s5] =	ssyncpa.u1 $0x0;
	s8 =	sadd.s32 $0x100, s6  }
0x9: {  	vm0 =	vmmov $0xff;
	vm1 =	vcmask $0x3F20;
	[sflag:s9] =	ssyncpa.u1 $0x0;
	s9 =	simm.s32 $0x100;
	s11 =	smov.u32 s6  }
.LBB2_9:
0xa: {  	p0 =	seq.s32 s10, $0x2  }
.Ltmp1:
0xb: {  	_ = 	snop;
	(pc) =	sbr.rel @p0 .LBB2_11-.Ltmp1, $1  }
0xc: {  	_ =	sdelay $0x3  }
.LBB2_10:
0xd: {  	s12 =	sadd.s32 $0x100, s11  }
0xe: {  	s13 =	smov.u32 s6;
	p0 =	slt.s32 s12, s8  }
0xf: {  	s13 =	smov.u32 @p0 s12  }
0x10: {  	s10 =	sadd.s32 $0x1, s10;
	s12 =	smov.u32 s11;
	s11 =	smov.u32 s13  }
.LBB2_1:
0x11: {  	p0 =	sne.s32 s10, $0x0  }
.Ltmp2:
0x12: {  	_ = 	snop;
	(pc) =	sbr.rel @!p0 .LBB2_2-.Ltmp2, $1  }
0x13: {  	_ =	sdelay $0x3  }
0x14: {  	s13 =	sand.u32 $0x1, s10  }
0x15: {  	p0 =	seq.s32 s13, $0x0  }
.Ltmp3:
0x16: {  	_ = 	snop;
	(pc) =	sbr.rel @p0 .LBB2_9-.Ltmp3, $1  }
0x17: {  	_ =	sdelay $0x3  }
0x18: {  	_ =	swait.ge [sflag:s5], $0x100  }
0x19: {  	[sflag:s5] =	ssyncset.done $0x0  }
0x1a: {  	s13 =	simm.s32 $0x0;
	[sflag:s5] =	ssyncadd.s32 $0xFFFFFF00  }
0x1b: {  	v0 =	vld.msk [tilespmem:s13+$0x100 ss:$0x1], $0xffff;
	_ =	sdelay $0x4  }
0x1c: {  	vm2 =	vgt.s32 v0, $0x0  }
0x1d: {  	v0 =	vnsel vm2, $0x0, v0  }
0x1e: {  	v0 =	vmin.u32 v0, $0x1FFF  }
0x1f: {  	v0 =	vshll.u32 v0, $0x4;
	_ =	sdelay $0x3  }
0x20: {  	s13 =	simm.s32 $0x8200  }
0x21: {  	[tilespmem:s13], [sflag:$0x1] =	stream.indirect_vreg.gather [hbm:s2], $0x80, v0, vm0, $0x38;
	[tilespmem:$0x10200] =	vst v63  }
0x22: {  	s14 =	simm.s32 $0x8600;
	s31 =	simm.s32 $0x10  }
0x23: {  	[tilespmem:s14], [sflag:$0x1] =	stream.indirect_vreg.gather [hbm:s2], $0x80, v0, vm1, $0x38;
	[tilespmem:$0x10200] =	vst v63  }
0x24: {  	s14 =	simm.s32 $0x80;
	v0 =	vld.msk [tilespmem:s31+$0x100 ss:$0x1], $0xffff  }
.LBB2_5:
0x25: {  	p0 =	sne.s32 s14, $0x3C0;
	_ =	sdelay $0x4  }
0x26: {  	vm2 =	vgt.s32 v0, $0x0  }
0x27: {  	v0 =	vnsel vm2, $0x0, v0  }
0x28: {  	v0 =	vmin.u32 v0, $0x1FFF  }
0x29: {  	v0 =	vshll.u32 v0, $0x4;
	_ =	sdelay $0x3  }
.Ltmp4:
0x2a: {  	s13 =	sadd.s32 $0x800, s13;
	(pc) =	sbr.rel @p0 .LBB2_5-.Ltmp4, $4  }
0x2b: {  	[tilespmem:s13], [sflag:$0x1] =	stream.indirect_vreg.gather [hbm:s2], $0x80, v0, vm0, $0x38;
	[tilespmem:$0x10200] =	vst v63  }
0x2c: {  	s15 =	sshra.s32 s14, $0x2;
	s16 =	sadd.s32 $0x400, s13  }
0x2d: {  	[tilespmem:s16], [sflag:$0x1] =	stream.indirect_vreg.gather [hbm:s2], $0x80, v0, vm1, $0x38;
	[tilespmem:$0x10200] =	vst v63  }
0x2e: {  	s14 =	sadd.s32 $0x40, s14;
	v0 =	vld.msk [tilespmem:s15+$0x100 ss:$0x1], $0xffff  }
0x2f: {  	_ =	sdelay $0x3  }
0x30: {  	vm2 =	vgt.s32 v0, $0x0  }
0x31: {  	v0 =	vnsel vm2, $0x0, v0  }
0x32: {  	v0 =	vmin.u32 v0, $0x1FFF  }
0x33: {  	v0 =	vshll.u32 v0, $0x4;
	_ =	sdelay $0x3  }
0x34: {  	s13 =	sadd.s32 $0x800, s13  }
0x35: {  	[tilespmem:s13], [sflag:$0x1] =	stream.indirect_vreg.gather [hbm:s2], $0x80, v0, vm0, $0x38;
	[tilespmem:$0x10200] =	vst v63  }
0x36: {  	s13 =	sadd.s32 $0x400, s13  }
0x37: {  	[tilespmem:s13], [sflag:$0x1] =	stream.indirect_vreg.gather [hbm:s2], $0x80, v0, vm1, $0x38;
	[tilespmem:$0x10200] =	vst v63  }
0x38: {  	s12 =	sshll.u32 s12, $0x4;
	s14 =	simm.s32 $0x80;
	_ =	swait.ge [sflag:s4], $0x8000  }
0x39: {  	s15 =	simm.s32 $0x8600;
	s12 =	sadd.s32 s12, s7;
	[sflag:s4] =	ssyncset.done $0x0  }
0x3a: {  	s16 =	sadd.s32 $0x0, s12;
	s13 =	simm.s32 $0x8200;
	[sflag:s4] =	ssyncadd.s32 $0xFFFF8000  }
.LBB2_7:
0x3b: {  	[hbm:s16] =	stream.linear.scatter [tilespmem:s13], [sflag:$0x3], $0x400, $0x38;
	[tilespmem:$0x10200] =	vst v63  }
0x3c: {  	s16 =	smov.u32 s14;
	s13 =	smov.u32 s15;
	p0 =	sne.s32 s14, $0xF80  }
.Ltmp5:
0x3d: {  	s14 =	sadd.s32 $0x80, s14;
	(pc) =	sbr.rel @p0 .LBB2_7-.Ltmp5, $2  }
0x3e: {  	_ =	sdelay $0x2  }
0x3f: {  	s15 =	sadd.s32 $0x400, s15;
	s16 =	sadd.s32 s16, s12  }
.Ltmp6:
0x40: {  	(pc) =	sbr.rel .LBB2_9-.Ltmp6, $2  }
0x41: {  	_ =	sdelay $0x2  }
0x42: {  	[hbm:s16] =	stream.linear.scatter [tilespmem:s13], [sflag:$0x3], $0x400, $0x38;
	[tilespmem:$0x10200] =	vst v63  }
.LBB2_2:
.Ltmp7:
0x43: {  	(pc) =	sbr.rel .LBB2_10-.Ltmp7, $4  }
0x44: {  	_ = 	snop  }
0x45: {  	s12 =	sshrl.u32 s11, $0x3  }
0x46: {  	s13 =	sand.u32 $0x7, s11;
	s12 =	sadd.s32 s3, s12  }
0x47: {  	[tilespmem:s9], [sflag:$0x2] =	stream.linear.gather [hbm4b:s12+s13], $0x100, $0x38;
	[tilespmem:$0x10200] =	vst v63  }
.LBB2_11:
0x48: {  	s2 =	simm.s32 $0x3  }
0x49: {  	_ =	swait.ge [sflag:s2], $0x8000  }
0x4a: {  	[sflag:s2] =	ssyncset.done $0x0  }
0x4b: {  	[sflag:s2] =	ssyncadd.s32 $0xFFFF8000  }
0x4c: {  	_ =	sfence.sel $0x180000  }
0x4d: {  	s3 =	simm.s32 $0x2;
	[bflag:$0x0] =	sbarrier.arrive $0xFFFF  }
0x4e: {  	[sflag:s3] =	ssyncpa.u1 $0x1  }
0x4f: {  	s31 =	simm.s32 $0x1;
	[sflag:s2] =	ssyncpa.u1 $0x1  }
0x50: {  	[sflag:s31] =	ssyncpa.u1 $0x1  }
0x51: {  	p0 =	sne.s32 s1, $0x0;
	_ =	strace $0x9000004A  }
0x52: {  	s0 =	sadd.s32 @!p0 $0x100000, s0;
	[bflag:$0x2] =	sbarrier.arrive $0xFFFF  }
0x53: {  	[sflag:s0] =	ssyncadd.tile.s32 @!p0 $0x1;
	_ =	shalt  }
.Lfunc_end2:
_tile_overlayer_lowered:
.L_overlay_start_2:
0x54: {  	(tag) =	ssettag $0x2  }
0x55: {  	s0 =	rddreg [dreg:$0x0];
	s2 =	stileid.u32  }
0x56: {  	s1 =	rddreg [dreg:$0x1];
	p0 =	sne.s32 s2, $0x0  }
0x57: {  	s3 =	rddreg [dreg:$0x2];
	[bflag:$0x3] =	sbarrier.arrive $0xFFFF;
	s2 =	simm.s32 @!p0 $0x1C01  }
0x58: {  	[timem:s3], [sflag:s2] =	dma.local @!p0 [hbm:s0], s1  }
0x59: {  	s0 =	simm.s32 @!p0 $0x1  }
0x5a: {  	_ =	swait.ge @!p0 [sflag:s0], s1  }
0x5b: {  	s1 =	ssub.s32 @!p0 $0x0, s1;
	[sflag:s0] =	ssyncset.done @!p0 $0x0  }
0x5c: {  	[sflag:s0] =	ssyncadd.s32 @!p0 s1  }
0x5d: {  	[bflag:$0x3] =	sbarrier.arrive $0xFFFF  }
0x5e: {  	_ =	shalt  }

</sc_bundles>
